<compile_context>
chip_gen: v7x
topology: tpu7x:2x2x1
jax: 0.10.2.dev20260603
libtpu: 0.0.44.dev20260713+nightly
codegen_flags: <defaults>
</compile_context>

<pallas_src>
import functools

import jax
import jax.numpy as jnp
from jax import lax
from jax.experimental import pallas as pl
from jax.experimental.pallas import tpu as pltpu
from jax.experimental.pallas import tpu_sc as plsc

_HEADS = 4
_C = 128
_N = 10000
_G = 512
_P = 64
_SLOP = 0.2

_NC = 1
_NS = 16
_NW = _NC * _NS
_GPW = _G // _NW
_IPG = 2 * 2 * _P


def _tc_body(x_ref, w_ref, att_ref, a_ref):
    w = w_ref[...]
    att2 = att_ref[...].reshape(_HEADS, 2 * _C)
    dn = (((1,), (0,)), ((), ()))
    hp = lax.Precision.HIGHEST

    def vrow(h, half):
        avec = att2[h:h + 1, half * _C:(half + 1) * _C]
        wblk = w[h * _C:(h + 1) * _C, :]
        return lax.dot_general(avec, wblk, dn, precision=hp)

    order = [(0, 0), (2, 0), (0, 1), (2, 1), (1, 0), (3, 0), (1, 1), (3, 1)]
    vcat = jnp.concatenate([vrow(h, half) for h, half in order], axis=0)
    dnx = (((1,), (1,)), ((), ()))
    a2 = lax.dot_general(vcat, x_ref[...], dnx)
    lo = lax.bitcast_convert_type(a2[:4, :].astype(jnp.bfloat16), jnp.uint16)
    hi = lax.bitcast_convert_type(a2[4:, :].astype(jnp.bfloat16), jnp.uint16)
    a_ref[...] = jnp.bitwise_or(
        lo.astype(jnp.int32),
        jnp.left_shift(hi.astype(jnp.int32), 16))


def _leaky(s):
    return jnp.maximum(s, s * _SLOP)


@functools.cache
def _make_sc_kernel():
    mesh = plsc.VectorSubcoreMesh(core_axis_name="c", subcore_axis_name="s", num_cores=_NC)
    return functools.partial(
        pl.kernel,
        mesh=mesh,
        compiler_params=pltpu.CompilerParams(
            needs_layout_passes=False,
            skip_device_barrier=True,
            disable_bounds_checks=True,
            disable_semaphore_checks=True,
        ),
        out_type=jax.ShapeDtypeStruct((_G * 16,), jnp.float32),
        scratch_types=[
            pltpu.VMEM((_N * _HEADS,), jnp.int32),
            pltpu.VMEM((_GPW * _IPG,), jnp.int32),
            pltpu.VMEM((256,), jnp.float32),
            pltpu.VMEM((16,), jnp.float32),
            pltpu.VMEM((_GPW * 16,), jnp.float32),
            pltpu.SemaphoreType.DMA,
        ],
    )(_sc_body)


def _unpack_pair(w):
    lo = plsc.bitcast(jnp.left_shift(w, 16), jnp.float32)
    hi = plsc.bitcast(jnp.bitwise_and(w, jnp.int32(-65536)), jnp.float32)
    return lo, hi


def _sc_body(a_hbm, idx_hbm, out_hbm, a_v, idx_v, tr_v, sm_v, out_v, dma_sem):
    wid = lax.axis_index("s") * _NC + lax.axis_index("c")
    table_cp = pltpu.async_copy(a_hbm, a_v, dma_sem)
    pltpu.sync_copy(idx_hbm.at[pl.ds(wid * (_GPW * _IPG), _GPW * _IPG)], idx_v)
    table_cp.wait()

    lane = lax.iota(jnp.int32, 16)
    perm_j = jnp.bitwise_xor(lane, 4)

    def group_body(g, carry):
        gb = g * _IPG
        kidx = [[idx_v[pl.ds(gb + i * 2 * _P + _P + c4 * 16, 16)]
                 for c4 in range(4)] for i in range(2)]
        vidx = [[idx_v[pl.ds(gb + j * 2 * _P + c4 * 16, 16)]
                 for c4 in range(4)] for j in range(2)]
        akv = {}
        avv = {}
        for c4 in range(4):
            for hp in range(2):
                for i in range(2):
                    w = plsc.load_gather(a_v, [kidx[i][c4] + hp * _N])
                    akv[i, hp, c4] = plsc.bitcast(w, jnp.bfloat16)
                for j in range(2):
                    w = plsc.load_gather(a_v, [vidx[j][c4] + (2 + hp) * _N])
                    avv[j, hp, c4] = plsc.bitcast(w, jnp.bfloat16)
        for i in range(2):
            for j in range(2):
                for hp in range(2):
                    acc = _leaky(akv[i, hp, 0] + avv[j, hp, 0])
                    for c4 in range(1, 4):
                        acc = acc + _leaky(akv[i, hp, c4] + avv[j, hp, c4])
                    lo, hi = _unpack_pair(plsc.bitcast(acc, jnp.int32))
                    tr_v[pl.ds((i * 8 + j * 4 + 2 * hp) * 16, 16)] = lo
                    tr_v[pl.ds((i * 8 + j * 4 + 2 * hp + 1) * 16, 16)] = hi
        s = plsc.load_gather(tr_v, [lane * 16])
        for l in range(1, 16):
            s = s + plsc.load_gather(tr_v, [lane * 16 + l])
        s = s * (1.0 / _P)
        e = jnp.exp(s)
        sm_v[...] = e
        e_sw = plsc.load_gather(sm_v, [perm_j])
        out_v[pl.ds(g * 16, 16)] = e / (e + e_sw)
        return carry

    lax.fori_loop(0, _GPW, group_body, 0)
    pltpu.sync_copy(out_v, out_hbm.at[pl.ds(wid * (_GPW * 16), _GPW * 16)])


def kernel(x, edge_index, node_idxes, W, att):
    del edge_index
    a_packed = pl.pallas_call(
        _tc_body,
        out_shape=jax.ShapeDtypeStruct((_HEADS, _N), jnp.int32),
    )(x, W, att)
    idx_flat = node_idxes.reshape(_G * _IPG).astype(jnp.int32)
    out = _make_sc_kernel()(a_packed.reshape(_N * _HEADS), idx_flat)
    return out.reshape(_G, 2, 2, _HEADS)

# --- scband reference (transcript-rebuilt; emitter-appended) ---
"""Pipeline reference for scband-attentive-bpnet-54219667145566 (READ-ONLY COPY).

The authoritative reference and input builder live on the scoring server;
editing this copy changes nothing except your own understanding.
"""

import jax, jax.numpy as jnp
import numpy as np

HEADS = 4
C = 128
N = 10000
G = 512
P = 64
SLOP = 0.2


def setup_inputs(seed: int = 0) -> dict:
    key = jax.random.key(seed)
    k1, k2, k3, k4, k5 = jax.random.split(key, 5)
    x = jax.random.normal(k1, (N, C), dtype=jnp.float32)
    edge_index = jax.random.randint(k2, (2, 320000), 0, N)
    node_idxes = jax.random.randint(k3, (G, 2, 2, P), 0, N)
    # learned params: att_lin.weight [heads*C, C] (torch Linear: y = x @ W.T), att [1, heads, 2C]
    W = jax.random.normal(k4, (HEADS * C, C), dtype=jnp.float32) * 0.05
    att = jax.random.normal(k5, (1, HEADS, 2 * C), dtype=jnp.float32) * 0.05
    return {"x": x, "edge_index": edge_index, "node_idxes": node_idxes, "W": W, "att": att}


def _leaky_relu(s):
    return jnp.where(s >= 0, s, SLOP * s)


def reference(x, edge_index, node_idxes, W, att):
    # att_lin: x @ W.T -> [N, heads*C] -> view [N, heads, C]
    xh = (x @ W.T).reshape(-1, HEADS, C)

    def per_group(idx):  # idx: [2, 2, P] = [k, (src,dst), P]
        # value = cat([x[l[0]] for l in idxes]) then .repeat(k,1,1)
        value = jnp.concatenate([xh[idx[0, 0]], xh[idx[1, 0]]], axis=0)  # [2P, H, C]
        value = jnp.tile(value, (2, 1, 1))  # [4P, H, C]
        # key = cat([x[l[1]].repeat(k,1,1) for l in idxes])
        key0 = jnp.tile(xh[idx[0, 1]], (2, 1, 1))  # [2P, H, C]
        key1 = jnp.tile(xh[idx[1, 1]], (2, 1, 1))  # [2P, H, C]
        key = jnp.concatenate([key0, key1], axis=0)  # [4P, H, C]
        inp = jnp.concatenate([key, value], axis=-1)  # [4P, H, 2C]
        att_score = (inp * att[0]).sum(-1)  # [4P, H]
        att_score = _leaky_relu(att_score)
        avg = att_score.reshape(2 * 2, -1, HEADS).mean(axis=1)  # [4, H]
        avg = avg.reshape(2, 2, -1)  # [2, 2, H]
        return jax.nn.softmax(avg, axis=1)

    # original forward collects res per group (returns None); we return stacked probas
    return jax.vmap(per_group)(node_idxes)  # [G, 2, 2, H]

if __name__ == "__main__":
    import jax
    _d = setup_inputs()
    print(jax.jit(kernel)(*tuple(_d.values())))

</pallas_src>

<mosaic_0001>
#map = affine_map<(d0, d1) -> (0)>
module attributes {stable_mosaic.version = 14 : i64} {
  func.func @_sc_body(%arg0: i32, %arg1: i32, %arg2: memref<40000xi32, #tpu.memory_space<hbm>>, %arg3: memref<131072xi32, #tpu.memory_space<hbm>>, %arg4: memref<8192xf32, #tpu.memory_space<hbm>>, %arg5: memref<40000xi32, #tpu.memory_space<vmem>>, %arg6: memref<8192xi32, #tpu.memory_space<vmem>>, %arg7: memref<256xf32, #tpu.memory_space<vmem>>, %arg8: memref<16xf32, #tpu.memory_space<vmem>>, %arg9: memref<512xf32, #tpu.memory_space<vmem>>, %arg10: memref<!tpu.dma_semaphore, #tpu.memory_space<semaphore_mem>>) attributes {dimension_semantics = [#tpu.dimension_semantics<core_parallel>, #tpu.dimension_semantics<subcore_parallel>], iteration_bounds = array<i64: 1, 16>, scalar_prefetch = 0 : i64, scratch_operands = 6 : i64, tpu.core_type = #tpu.core_type<sc_vector_subcore>, window_params = [{transform_indices = #map}, {transform_indices = #map}, {transform_indices = #map}]} {
    %mul3A = arith.constant 1 : i32
    %mul3A_0 = arith.muli %arg1, %mul3A : i32
    %add3A = arith.addi %mul3A_0, %arg0 : i32
    tpu.enqueue_dma source(%arg2 : memref<40000xi32, #tpu.memory_space<hbm>>) target(%arg5 : memref<40000xi32, #tpu.memory_space<vmem>>) target_semaphore(%arg10 : memref<!tpu.dma_semaphore, #tpu.memory_space<semaphore_mem>>)
    %mul3A_1 = arith.constant 8192 : i32
    %mul3A_2 = arith.muli %add3A, %mul3A_1 : i32
    "tpu.region"() ({
      %run_scoped3A = tpu.sem_alloc : memref<!tpu.dma_semaphore, #tpu.memory_space<semaphore_mem>>
      %dma_start3A = tpu.memref_slice %arg3[%mul3A_2] : memref<131072xi32, #tpu.memory_space<hbm>> -> memref<8192xi32, #tpu.memory_space<hbm>>
      %dma_start3A_12 = tpu.memref_slice %arg3[%mul3A_2] : memref<131072xi32, #tpu.memory_space<hbm>> -> memref<8192xi32, #tpu.memory_space<hbm>>
      tpu.enqueue_dma source(%dma_start3A_12 : memref<8192xi32, #tpu.memory_space<hbm>>) target(%arg6 : memref<8192xi32, #tpu.memory_space<vmem>>) target_semaphore(%run_scoped3A : memref<!tpu.dma_semaphore, #tpu.memory_space<semaphore_mem>>)
      %dma_wait3A = tpu.memref_slice %arg3[%mul3A_2] : memref<131072xi32, #tpu.memory_space<hbm>> -> memref<8192xi32, #tpu.memory_space<hbm>>
      %dma_wait3A_13 = tpu.memref_slice %arg3[%mul3A_2] : memref<131072xi32, #tpu.memory_space<hbm>> -> memref<8192xi32, #tpu.memory_space<hbm>>
      tpu.wait_dma2 semaphore(%run_scoped3A : memref<!tpu.dma_semaphore, #tpu.memory_space<semaphore_mem>>) src(%dma_wait3A_13 : memref<8192xi32, #tpu.memory_space<hbm>>) dst(%arg6 : memref<8192xi32, #tpu.memory_space<vmem>>)
      tpu.yield
    }) : () -> ()
    tpu.wait_dma2 semaphore(%arg10 : memref<!tpu.dma_semaphore, #tpu.memory_space<semaphore_mem>>) src(%arg2 : memref<40000xi32, #tpu.memory_space<hbm>>) dst(%arg5 : memref<40000xi32, #tpu.memory_space<vmem>>)
    %iota3A = tpu.iota {dimensions = array<i32: 0>} : vector<16xi32>
    %xor3A = arith.constant 4 : i32
    %xor3A_3 = vector.broadcast %xor3A : i32 to vector<16xi32>
    %xor3A_4 = arith.xori %iota3A, %xor3A_3 : vector<16xi32>
    %scan3A = arith.constant 0 : i32
    %scan3A_5 = arith.constant 0 : i32
    %scan3A_6 = arith.constant 32 : i32
    %scan3A_7 = arith.addi %scan3A_5, %scan3A_6 : i32
    %scan3A_8 = arith.constant 1 : i32
    scf.for %scan3A_12 = %scan3A_5 to %scan3A_7 step %scan3A_8  : i32 {
      %mul3A_13 = arith.constant 256 : i32
      %mul3A_14 = arith.muli %scan3A_12, %mul3A_13 : i32
      %add3A_15 = arith.constant 0 : i32
      %add3A_16 = arith.addi %mul3A_14, %add3A_15 : i32
      %add3A_17 = arith.constant 64 : i32
      %add3A_18 = arith.addi %add3A_16, %add3A_17 : i32
      %add3A_19 = arith.constant 0 : i32
      %add3A_20 = arith.addi %add3A_18, %add3A_19 : i32
      %get3A = arith.index_cast %add3A_20 : i32 to index
      %get3A_21 = tpu.vector_load %arg6[%get3A] {strides = array<i32>} : memref<8192xi32, #tpu.memory_space<vmem>>, vector<16xi32>,
      %add3A_22 = arith.constant 0 : i32
      %add3A_23 = arith.addi %mul3A_14, %add3A_22 : i32
      %add3A_24 = arith.constant 64 : i32
      %add3A_25 = arith.addi %add3A_23, %add3A_24 : i32
      %add3A_26 = arith.constant 16 : i32
      %add3A_27 = arith.addi %add3A_25, %add3A_26 : i32
      %get3A_28 = arith.index_cast %add3A_27 : i32 to index
      %get3A_29 = tpu.vector_load %arg6[%get3A_28] {strides = array<i32>} : memref<8192xi32, #tpu.memory_space<vmem>>, vector<16xi32>,
      %add3A_30 = arith.constant 0 : i32
      %add3A_31 = arith.addi %mul3A_14, %add3A_30 : i32
      %add3A_32 = arith.constant 64 : i32
      %add3A_33 = arith.addi %add3A_31, %add3A_32 : i32
      %add3A_34 = arith.constant 32 : i32
      %add3A_35 = arith.addi %add3A_33, %add3A_34 : i32
      %get3A_36 = arith.index_cast %add3A_35 : i32 to index
      %get3A_37 = tpu.vector_load %arg6[%get3A_36] {strides = array<i32>} : memref<8192xi32, #tpu.memory_space<vmem>>, vector<16xi32>,
      %add3A_38 = arith.constant 0 : i32
      %add3A_39 = arith.addi %mul3A_14, %add3A_38 : i32
      %add3A_40 = arith.constant 64 : i32
      %add3A_41 = arith.addi %add3A_39, %add3A_40 : i32
      %add3A_42 = arith.constant 48 : i32
      %add3A_43 = arith.addi %add3A_41, %add3A_42 : i32
      %get3A_44 = arith.index_cast %add3A_43 : i32 to index
      %get3A_45 = tpu.vector_load %arg6[%get3A_44] {strides = array<i32>} : memref<8192xi32, #tpu.memory_space<vmem>>, vector<16xi32>,
      %add3A_46 = arith.constant 128 : i32
      %add3A_47 = arith.addi %mul3A_14, %add3A_46 : i32
      %add3A_48 = arith.constant 64 : i32
      %add3A_49 = arith.addi %add3A_47, %add3A_48 : i32
      %add3A_50 = arith.constant 0 : i32
      %add3A_51 = arith.addi %add3A_49, %add3A_50 : i32
      %get3A_52 = arith.index_cast %add3A_51 : i32 to index
      %get3A_53 = tpu.vector_load %arg6[%get3A_52] {strides = array<i32>} : memref<8192xi32, #tpu.memory_space<vmem>>, vector<16xi32>,
      %add3A_54 = arith.constant 128 : i32
      %add3A_55 = arith.addi %mul3A_14, %add3A_54 : i32
      %add3A_56 = arith.constant 64 : i32
      %add3A_57 = arith.addi %add3A_55, %add3A_56 : i32
      %add3A_58 = arith.constant 16 : i32
      %add3A_59 = arith.addi %add3A_57, %add3A_58 : i32
      %get3A_60 = arith.index_cast %add3A_59 : i32 to index
      %get3A_61 = tpu.vector_load %arg6[%get3A_60] {strides = array<i32>} : memref<8192xi32, #tpu.memory_space<vmem>>, vector<16xi32>,
      %add3A_62 = arith.constant 128 : i32
      %add3A_63 = arith.addi %mul3A_14, %add3A_62 : i32
      %add3A_64 = arith.constant 64 : i32
      %add3A_65 = arith.addi %add3A_63, %add3A_64 : i32
      %add3A_66 = arith.constant 32 : i32
      %add3A_67 = arith.addi %add3A_65, %add3A_66 : i32
      %get3A_68 = arith.index_cast %add3A_67 : i32 to index
      %get3A_69 = tpu.vector_load %arg6[%get3A_68] {strides = array<i32>} : memref<8192xi32, #tpu.memory_space<vmem>>, vector<16xi32>,
      %add3A_70 = arith.constant 128 : i32
      %add3A_71 = arith.addi %mul3A_14, %add3A_70 : i32
      %add3A_72 = arith.constant 64 : i32
      %add3A_73 = arith.addi %add3A_71, %add3A_72 : i32
      %add3A_74 = arith.constant 48 : i32
      %add3A_75 = arith.addi %add3A_73, %add3A_74 : i32
      %get3A_76 = arith.index_cast %add3A_75 : i32 to index
      %get3A_77 = tpu.vector_load %arg6[%get3A_76] {strides = array<i32>} : memref<8192xi32, #tpu.memory_space<vmem>>, vector<16xi32>,
      %add3A_78 = arith.constant 0 : i32
      %add3A_79 = arith.addi %mul3A_14, %add3A_78 : i32
      %add3A_80 = arith.constant 0 : i32
      %add3A_81 = arith.addi %add3A_79, %add3A_80 : i32
      %get3A_82 = arith.index_cast %add3A_81 : i32 to index
      %get3A_83 = tpu.vector_load %arg6[%get3A_82] {strides = array<i32>} : memref<8192xi32, #tpu.memory_space<vmem>>, vector<16xi32>,
      %add3A_84 = arith.constant 0 : i32
      %add3A_85 = arith.addi %mul3A_14, %add3A_84 : i32
      %add3A_86 = arith.constant 16 : i32
      %add3A_87 = arith.addi %add3A_85, %add3A_86 : i32
      %get3A_88 = arith.index_cast %add3A_87 : i32 to index
      %get3A_89 = tpu.vector_load %arg6[%get3A_88] {strides = array<i32>} : memref<8192xi32, #tpu.memory_space<vmem>>, vector<16xi32>,
      %add3A_90 = arith.constant 0 : i32
      %add3A_91 = arith.addi %mul3A_14, %add3A_90 : i32
      %add3A_92 = arith.constant 32 : i32
      %add3A_93 = arith.addi %add3A_91, %add3A_92 : i32
      %get3A_94 = arith.index_cast %add3A_93 : i32 to index
      %get3A_95 = tpu.vector_load %arg6[%get3A_94] {strides = array<i32>} : memref<8192xi32, #tpu.memory_space<vmem>>, vector<16xi32>,
      %add3A_96 = arith.constant 0 : i32
      %add3A_97 = arith.addi %mul3A_14, %add3A_96 : i32
      %add3A_98 = arith.constant 48 : i32
      %add3A_99 = arith.addi %add3A_97, %add3A_98 : i32
      %get3A_100 = arith.index_cast %add3A_99 : i32 to index
      %get3A_101 = tpu.vector_load %arg6[%get3A_100] {strides = array<i32>} : memref<8192xi32, #tpu.memory_space<vmem>>, vector<16xi32>,
      %add3A_102 = arith.constant 128 : i32
      %add3A_103 = arith.addi %mul3A_14, %add3A_102 : i32
      %add3A_104 = arith.constant 0 : i32
      %add3A_105 = arith.addi %add3A_103, %add3A_104 : i32
      %get3A_106 = arith.index_cast %add3A_105 : i32 to index
      %get3A_107 = tpu.vector_load %arg6[%get3A_106] {strides = array<i32>} : memref<8192xi32, #tpu.memory_space<vmem>>, vector<16xi32>,
      %add3A_108 = arith.constant 128 : i32
      %add3A_109 = arith.addi %mul3A_14, %add3A_108 : i32
      %add3A_110 = arith.constant 16 : i32
      %add3A_111 = arith.addi %add3A_109, %add3A_110 : i32
      %get3A_112 = arith.index_cast %add3A_111 : i32 to index
      %get3A_113 = tpu.vector_load %arg6[%get3A_112] {strides = array<i32>} : memref<8192xi32, #tpu.memory_space<vmem>>, vector<16xi32>,
      %add3A_114 = arith.constant 128 : i32
      %add3A_115 = arith.addi %mul3A_14, %add3A_114 : i32
      %add3A_116 = arith.constant 32 : i32
      %add3A_117 = arith.addi %add3A_115, %add3A_116 : i32
      %get3A_118 = arith.index_cast %add3A_117 : i32 to index
      %get3A_119 = tpu.vector_load %arg6[%get3A_118] {strides = array<i32>} : memref<8192xi32, #tpu.memory_space<vmem>>, vector<16xi32>,
      %add3A_120 = arith.constant 128 : i32
      %add3A_121 = arith.addi %mul3A_14, %add3A_120 : i32
      %add3A_122 = arith.constant 48 : i32
      %add3A_123 = arith.addi %add3A_121, %add3A_122 : i32
      %get3A_124 = arith.index_cast %add3A_123 : i32 to index
      %get3A_125 = tpu.vector_load %arg6[%get3A_124] {strides = array<i32>} : memref<8192xi32, #tpu.memory_space<vmem>>, vector<16xi32>,
      %add3A_126 = arith.constant 0 : i32
      %add3A_127 = vector.broadcast %add3A_126 : i32 to vector<16xi32>
      %add3A_128 = arith.addi %get3A_21, %add3A_127 : vector<16xi32>
      %gather3A = tpu.vector_load_idx %arg5[%add3A_128] : memref<40000xi32, #tpu.memory_space<vmem>>[vector<16xi32>], vector<16xi32>,
      %bitcast3A = vector.bitcast %gather3A : vector<16xi32> to vector<32xbf16>
      %add3A_129 = arith.constant 0 : i32
      %add3A_130 = vector.broadcast %add3A_129 : i32 to vector<16xi32>
      %add3A_131 = arith.addi %get3A_53, %add3A_130 : vector<16xi32>
      %gather3A_132 = tpu.vector_load_idx %arg5[%add3A_131] : memref<40000xi32, #tpu.memory_space<vmem>>[vector<16xi32>], vector<16xi32>,
      %bitcast3A_133 = vector.bitcast %gather3A_132 : vector<16xi32> to vector<32xbf16>
      %add3A_134 = arith.constant 20000 : i32
      %add3A_135 = vector.broadcast %add3A_134 : i32 to vector<16xi32>
      %add3A_136 = arith.addi %get3A_83, %add3A_135 : vector<16xi32>
      %gather3A_137 = tpu.vector_load_idx %arg5[%add3A_136] : memref<40000xi32, #tpu.memory_space<vmem>>[vector<16xi32>], vector<16xi32>,
      %bitcast3A_138 = vector.bitcast %gather3A_137 : vector<16xi32> to vector<32xbf16>
      %add3A_139 = arith.constant 20000 : i32
      %add3A_140 = vector.broadcast %add3A_139 : i32 to vector<16xi32>
      %add3A_141 = arith.addi %get3A_107, %add3A_140 : vector<16xi32>
      %gather3A_142 = tpu.vector_load_idx %arg5[%add3A_141] : memref<40000xi32, #tpu.memory_space<vmem>>[vector<16xi32>], vector<16xi32>,
      %bitcast3A_143 = vector.bitcast %gather3A_142 : vector<16xi32> to vector<32xbf16>
      %add3A_144 = arith.constant 10000 : i32
      %add3A_145 = vector.broadcast %add3A_144 : i32 to vector<16xi32>
      %add3A_146 = arith.addi %get3A_21, %add3A_145 : vector<16xi32>
      %gather3A_147 = tpu.vector_load_idx %arg5[%add3A_146] : memref<40000xi32, #tpu.memory_space<vmem>>[vector<16xi32>], vector<16xi32>,
      %bitcast3A_148 = vector.bitcast %gather3A_147 : vector<16xi32> to vector<32xbf16>
      %add3A_149 = arith.constant 10000 : i32
      %add3A_150 = vector.broadcast %add3A_149 : i32 to vector<16xi32>
      %add3A_151 = arith.addi %get3A_53, %add3A_150 : vector<16xi32>
      %gather3A_152 = tpu.vector_load_idx %arg5[%add3A_151] : memref<40000xi32, #tpu.memory_space<vmem>>[vector<16xi32>], vector<16xi32>,
      %bitcast3A_153 = vector.bitcast %gather3A_152 : vector<16xi32> to vector<32xbf16>
      %add3A_154 = arith.constant 30000 : i32
      %add3A_155 = vector.broadcast %add3A_154 : i32 to vector<16xi32>
      %add3A_156 = arith.addi %get3A_83, %add3A_155 : vector<16xi32>
      %gather3A_157 = tpu.vector_load_idx %arg5[%add3A_156] : memref<40000xi32, #tpu.memory_space<vmem>>[vector<16xi32>], vector<16xi32>,
      %bitcast3A_158 = vector.bitcast %gather3A_157 : vector<16xi32> to vector<32xbf16>
      %add3A_159 = arith.constant 30000 : i32
      %add3A_160 = vector.broadcast %add3A_159 : i32 to vector<16xi32>
      %add3A_161 = arith.addi %get3A_107, %add3A_160 : vector<16xi32>
      %gather3A_162 = tpu.vector_load_idx %arg5[%add3A_161] : memref<40000xi32, #tpu.memory_space<vmem>>[vector<16xi32>], vector<16xi32>,
      %bitcast3A_163 = vector.bitcast %gather3A_162 : vector<16xi32> to vector<32xbf16>
      %add3A_164 = arith.constant 0 : i32
      %add3A_165 = vector.broadcast %add3A_164 : i32 to vector<16xi32>
      %add3A_166 = arith.addi %get3A_29, %add3A_165 : vector<16xi32>
      %gather3A_167 = tpu.vector_load_idx %arg5[%add3A_166] : memref<40000xi32, #tpu.memory_space<vmem>>[vector<16xi32>], vector<16xi32>,
      %bitcast3A_168 = vector.bitcast %gather3A_167 : vector<16xi32> to vector<32xbf16>
      %add3A_169 = arith.constant 0 : i32
      %add3A_170 = vector.broadcast %add3A_169 : i32 to vector<16xi32>
      %add3A_171 = arith.addi %get3A_61, %add3A_170 : vector<16xi32>
      %gather3A_172 = tpu.vector_load_idx %arg5[%add3A_171] : memref<40000xi32, #tpu.memory_space<vmem>>[vector<16xi32>], vector<16xi32>,
      %bitcast3A_173 = vector.bitcast %gather3A_172 : vector<16xi32> to vector<32xbf16>
      %add3A_174 = arith.constant 20000 : i32
      %add3A_175 = vector.broadcast %add3A_174 : i32 to vector<16xi32>
      %add3A_176 = arith.addi %get3A_89, %add3A_175 : vector<16xi32>
      %gather3A_177 = tpu.vector_load_idx %arg5[%add3A_176] : memref<40000xi32, #tpu.memory_space<vmem>>[vector<16xi32>], vector<16xi32>,
      %bitcast3A_178 = vector.bitcast %gather3A_177 : vector<16xi32> to vector<32xbf16>
      %add3A_179 = arith.constant 20000 : i32
      %add3A_180 = vector.broadcast %add3A_179 : i32 to vector<16xi32>
      %add3A_181 = arith.addi %get3A_113, %add3A_180 : vector<16xi32>
      %gather3A_182 = tpu.vector_load_idx %arg5[%add3A_181] : memref<40000xi32, #tpu.memory_space<vmem>>[vector<16xi32>], vector<16xi32>,
      %bitcast3A_183 = vector.bitcast %gather3A_182 : vector<16xi32> to vector<32xbf16>
      %add3A_184 = arith.constant 10000 : i32
      %add3A_185 = vector.broadcast %add3A_184 : i32 to vector<16xi32>
      %add3A_186 = arith.addi %get3A_29, %add3A_185 : vector<16xi32>
      %gather3A_187 = tpu.vector_load_idx %arg5[%add3A_186] : memref<40000xi32, #tpu.memory_space<vmem>>[vector<16xi32>], vector<16xi32>,
      %bitcast3A_188 = vector.bitcast %gather3A_187 : vector<16xi32> to vector<32xbf16>
      %add3A_189 = arith.constant 10000 : i32
      %add3A_190 = vector.broadcast %add3A_189 : i32 to vector<16xi32>
      %add3A_191 = arith.addi %get3A_61, %add3A_190 : vector<16xi32>
      %gather3A_192 = tpu.vector_load_idx %arg5[%add3A_191] : memref<40000xi32, #tpu.memory_space<vmem>>[vector<16xi32>], vector<16xi32>,
      %bitcast3A_193 = vector.bitcast %gather3A_192 : vector<16xi32> to vector<32xbf16>
      %add3A_194 = arith.constant 30000 : i32
      %add3A_195 = vector.broadcast %add3A_194 : i32 to vector<16xi32>
      %add3A_196 = arith.addi %get3A_89, %add3A_195 : vector<16xi32>
      %gather3A_197 = tpu.vector_load_idx %arg5[%add3A_196] : memref<40000xi32, #tpu.memory_space<vmem>>[vector<16xi32>], vector<16xi32>,
      %bitcast3A_198 = vector.bitcast %gather3A_197 : vector<16xi32> to vector<32xbf16>
      %add3A_199 = arith.constant 30000 : i32
      %add3A_200 = vector.broadcast %add3A_199 : i32 to vector<16xi32>
      %add3A_201 = arith.addi %get3A_113, %add3A_200 : vector<16xi32>
      %gather3A_202 = tpu.vector_load_idx %arg5[%add3A_201] : memref<40000xi32, #tpu.memory_space<vmem>>[vector<16xi32>], vector<16xi32>,
      %bitcast3A_203 = vector.bitcast %gather3A_202 : vector<16xi32> to vector<32xbf16>
      %add3A_204 = arith.constant 0 : i32
      %add3A_205 = vector.broadcast %add3A_204 : i32 to vector<16xi32>
      %add3A_206 = arith.addi %get3A_37, %add3A_205 : vector<16xi32>
      %gather3A_207 = tpu.vector_load_idx %arg5[%add3A_206] : memref<40000xi32, #tpu.memory_space<vmem>>[vector<16xi32>], vector<16xi32>,
      %bitcast3A_208 = vector.bitcast %gather3A_207 : vector<16xi32> to vector<32xbf16>
      %add3A_209 = arith.constant 0 : i32
      %add3A_210 = vector.broadcast %add3A_209 : i32 to vector<16xi32>
      %add3A_211 = arith.addi %get3A_69, %add3A_210 : vector<16xi32>
      %gather3A_212 = tpu.vector_load_idx %arg5[%add3A_211] : memref<40000xi32, #tpu.memory_space<vmem>>[vector<16xi32>], vector<16xi32>,
      %bitcast3A_213 = vector.bitcast %gather3A_212 : vector<16xi32> to vector<32xbf16>
      %add3A_214 = arith.constant 20000 : i32
      %add3A_215 = vector.broadcast %add3A_214 : i32 to vector<16xi32>
      %add3A_216 = arith.addi %get3A_95, %add3A_215 : vector<16xi32>
      %gather3A_217 = tpu.vector_load_idx %arg5[%add3A_216] : memref<40000xi32, #tpu.memory_space<vmem>>[vector<16xi32>], vector<16xi32>,
      %bitcast3A_218 = vector.bitcast %gather3A_217 : vector<16xi32> to vector<32xbf16>
      %add3A_219 = arith.constant 20000 : i32
      %add3A_220 = vector.broadcast %add3A_219 : i32 to vector<16xi32>
      %add3A_221 = arith.addi %get3A_119, %add3A_220 : vector<16xi32>
      %gather3A_222 = tpu.vector_load_idx %arg5[%add3A_221] : memref<40000xi32, #tpu.memory_space<vmem>>[vector<16xi32>], vector<16xi32>,
      %bitcast3A_223 = vector.bitcast %gather3A_222 : vector<16xi32> to vector<32xbf16>
      %add3A_224 = arith.constant 10000 : i32
      %add3A_225 = vector.broadcast %add3A_224 : i32 to vector<16xi32>
      %add3A_226 = arith.addi %get3A_37, %add3A_225 : vector<16xi32>
      %gather3A_227 = tpu.vector_load_idx %arg5[%add3A_226] : memref<40000xi32, #tpu.memory_space<vmem>>[vector<16xi32>], vector<16xi32>,
      %bitcast3A_228 = vector.bitcast %gather3A_227 : vector<16xi32> to vector<32xbf16>
      %add3A_229 = arith.constant 10000 : i32
      %add3A_230 = vector.broadcast %add3A_229 : i32 to vector<16xi32>
      %add3A_231 = arith.addi %get3A_69, %add3A_230 : vector<16xi32>
      %gather3A_232 = tpu.vector_load_idx %arg5[%add3A_231] : memref<40000xi32, #tpu.memory_space<vmem>>[vector<16xi32>], vector<16xi32>,
      %bitcast3A_233 = vector.bitcast %gather3A_232 : vector<16xi32> to vector<32xbf16>
      %add3A_234 = arith.constant 30000 : i32
      %add3A_235 = vector.broadcast %add3A_234 : i32 to vector<16xi32>
      %add3A_236 = arith.addi %get3A_95, %add3A_235 : vector<16xi32>
      %gather3A_237 = tpu.vector_load_idx %arg5[%add3A_236] : memref<40000xi32, #tpu.memory_space<vmem>>[vector<16xi32>], vector<16xi32>,
      %bitcast3A_238 = vector.bitcast %gather3A_237 : vector<16xi32> to vector<32xbf16>
      %add3A_239 = arith.constant 30000 : i32
      %add3A_240 = vector.broadcast %add3A_239 : i32 to vector<16xi32>
      %add3A_241 = arith.addi %get3A_119, %add3A_240 : vector<16xi32>
      %gather3A_242 = tpu.vector_load_idx %arg5[%add3A_241] : memref<40000xi32, #tpu.memory_space<vmem>>[vector<16xi32>], vector<16xi32>,
      %bitcast3A_243 = vector.bitcast %gather3A_242 : vector<16xi32> to vector<32xbf16>
      %add3A_244 = arith.constant 0 : i32
      %add3A_245 = vector.broadcast %add3A_244 : i32 to vector<16xi32>
      %add3A_246 = arith.addi %get3A_45, %add3A_245 : vector<16xi32>
      %gather3A_247 = tpu.vector_load_idx %arg5[%add3A_246] : memref<40000xi32, #tpu.memory_space<vmem>>[vector<16xi32>], vector<16xi32>,
      %bitcast3A_248 = vector.bitcast %gather3A_247 : vector<16xi32> to vector<32xbf16>
      %add3A_249 = arith.constant 0 : i32
      %add3A_250 = vector.broadcast %add3A_249 : i32 to vector<16xi32>
      %add3A_251 = arith.addi %get3A_77, %add3A_250 : vector<16xi32>
      %gather3A_252 = tpu.vector_load_idx %arg5[%add3A_251] : memref<40000xi32, #tpu.memory_space<vmem>>[vector<16xi32>], vector<16xi32>,
      %bitcast3A_253 = vector.bitcast %gather3A_252 : vector<16xi32> to vector<32xbf16>
      %add3A_254 = arith.constant 20000 : i32
      %add3A_255 = vector.broadcast %add3A_254 : i32 to vector<16xi32>
      %add3A_256 = arith.addi %get3A_101, %add3A_255 : vector<16xi32>
      %gather3A_257 = tpu.vector_load_idx %arg5[%add3A_256] : memref<40000xi32, #tpu.memory_space<vmem>>[vector<16xi32>], vector<16xi32>,
      %bitcast3A_258 = vector.bitcast %gather3A_257 : vector<16xi32> to vector<32xbf16>
      %add3A_259 = arith.constant 20000 : i32
      %add3A_260 = vector.broadcast %add3A_259 : i32 to vector<16xi32>
      %add3A_261 = arith.addi %get3A_125, %add3A_260 : vector<16xi32>
      %gather3A_262 = tpu.vector_load_idx %arg5[%add3A_261] : memref<40000xi32, #tpu.memory_space<vmem>>[vector<16xi32>], vector<16xi32>,
      %bitcast3A_263 = vector.bitcast %gather3A_262 : vector<16xi32> to vector<32xbf16>
      %add3A_264 = arith.constant 10000 : i32
      %add3A_265 = vector.broadcast %add3A_264 : i32 to vector<16xi32>
      %add3A_266 = arith.addi %get3A_45, %add3A_265 : vector<16xi32>
      %gather3A_267 = tpu.vector_load_idx %arg5[%add3A_266] : memref<40000xi32, #tpu.memory_space<vmem>>[vector<16xi32>], vector<16xi32>,
      %bitcast3A_268 = vector.bitcast %gather3A_267 : vector<16xi32> to vector<32xbf16>
      %add3A_269 = arith.constant 10000 : i32
      %add3A_270 = vector.broadcast %add3A_269 : i32 to vector<16xi32>
      %add3A_271 = arith.addi %get3A_77, %add3A_270 : vector<16xi32>
      %gather3A_272 = tpu.vector_load_idx %arg5[%add3A_271] : memref<40000xi32, #tpu.memory_space<vmem>>[vector<16xi32>], vector<16xi32>,
      %bitcast3A_273 = vector.bitcast %gather3A_272 : vector<16xi32> to vector<32xbf16>
      %add3A_274 = arith.constant 30000 : i32
      %add3A_275 = vector.broadcast %add3A_274 : i32 to vector<16xi32>
      %add3A_276 = arith.addi %get3A_101, %add3A_275 : vector<16xi32>
      %gather3A_277 = tpu.vector_load_idx %arg5[%add3A_276] : memref<40000xi32, #tpu.memory_space<vmem>>[vector<16xi32>], vector<16xi32>,
      %bitcast3A_278 = vector.bitcast %gather3A_277 : vector<16xi32> to vector<32xbf16>
      %add3A_279 = arith.constant 30000 : i32
      %add3A_280 = vector.broadcast %add3A_279 : i32 to vector<16xi32>
      %add3A_281 = arith.addi %get3A_125, %add3A_280 : vector<16xi32>
      %gather3A_282 = tpu.vector_load_idx %arg5[%add3A_281] : memref<40000xi32, #tpu.memory_space<vmem>>[vector<16xi32>], vector<16xi32>,
      %bitcast3A_283 = vector.bitcast %gather3A_282 : vector<16xi32> to vector<32xbf16>
      %add3A_284 = arith.addf %bitcast3A, %bitcast3A_138 : vector<32xbf16>
      %mul3A_285 = arith.constant 2.001950e-01 : bf16
      %mul3A_286 = vector.broadcast %mul3A_285 : bf16 to vector<32xbf16>
      %mul3A_287 = arith.mulf %add3A_284, %mul3A_286 : vector<32xbf16>
      %max3A = arith.maximumf %add3A_284, %mul3A_287 : vector<32xbf16>
      %add3A_288 = arith.addf %bitcast3A_168, %bitcast3A_178 : vector<32xbf16>
      %mul3A_289 = arith.constant 2.001950e-01 : bf16
      %mul3A_290 = vector.broadcast %mul3A_289 : bf16 to vector<32xbf16>
      %mul3A_291 = arith.mulf %add3A_288, %mul3A_290 : vector<32xbf16>
      %max3A_292 = arith.maximumf %add3A_288, %mul3A_291 : vector<32xbf16>
      %add3A_293 = arith.addf %max3A, %max3A_292 : vector<32xbf16>
      %add3A_294 = arith.addf %bitcast3A_208, %bitcast3A_218 : vector<32xbf16>
      %mul3A_295 = arith.constant 2.001950e-01 : bf16
      %mul3A_296 = vector.broadcast %mul3A_295 : bf16 to vector<32xbf16>
      %mul3A_297 = arith.mulf %add3A_294, %mul3A_296 : vector<32xbf16>
      %max3A_298 = arith.maximumf %add3A_294, %mul3A_297 : vector<32xbf16>
      %add3A_299 = arith.addf %add3A_293, %max3A_298 : vector<32xbf16>
      %add3A_300 = arith.addf %bitcast3A_248, %bitcast3A_258 : vector<32xbf16>
      %mul3A_301 = arith.constant 2.001950e-01 : bf16
      %mul3A_302 = vector.broadcast %mul3A_301 : bf16 to vector<32xbf16>
      %mul3A_303 = arith.mulf %add3A_300, %mul3A_302 : vector<32xbf16>
      %max3A_304 = arith.maximumf %add3A_300, %mul3A_303 : vector<32xbf16>
      %add3A_305 = arith.addf %add3A_299, %max3A_304 : vector<32xbf16>
      %bitcast3A_306 = vector.bitcast %add3A_305 : vector<32xbf16> to vector<16xi32>
      %shift_left3A = arith.constant 16 : i32
      %shift_left3A_307 = vector.broadcast %shift_left3A : i32 to vector<16xi32>
      %shift_left3A_308 = arith.shli %bitcast3A_306, %shift_left3A_307 : vector<16xi32>
      %bitcast3A_309 = vector.bitcast %shift_left3A_308 : vector<16xi32> to vector<16xf32>
      %and3A = arith.constant -65536 : i32
      %and3A_310 = vector.broadcast %and3A : i32 to vector<16xi32>
      %and3A_311 = arith.andi %bitcast3A_306, %and3A_310 : vector<16xi32>
      %bitcast3A_312 = vector.bitcast %and3A_311 : vector<16xi32> to vector<16xf32>
      %swap3A = arith.constant 0 : index
      %swap3A_313 = tpu.vector_load %arg7[%swap3A] {strides = array<i32>} : memref<256xf32, #tpu.memory_space<vmem>>, vector<16xf32>,
      tpu.vector_store %arg7[%swap3A], %bitcast3A_309 {strides = array<i32>} : memref<256xf32, #tpu.memory_space<vmem>>, vector<16xf32>,
      %swap3A_314 = arith.constant 16 : index
      %swap3A_315 = tpu.vector_load %arg7[%swap3A_314] {strides = array<i32>} : memref<256xf32, #tpu.memory_space<vmem>>, vector<16xf32>,
      tpu.vector_store %arg7[%swap3A_314], %bitcast3A_312 {strides = array<i32>} : memref<256xf32, #tpu.memory_space<vmem>>, vector<16xf32>,
      %add3A_316 = arith.addf %bitcast3A_148, %bitcast3A_158 : vector<32xbf16>
      %mul3A_317 = arith.constant 2.001950e-01 : bf16
      %mul3A_318 = vector.broadcast %mul3A_317 : bf16 to vector<32xbf16>
      %mul3A_319 = arith.mulf %add3A_316, %mul3A_318 : vector<32xbf16>
      %max3A_320 = arith.maximumf %add3A_316, %mul3A_319 : vector<32xbf16>
      %add3A_321 = arith.addf %bitcast3A_188, %bitcast3A_198 : vector<32xbf16>
      %mul3A_322 = arith.constant 2.001950e-01 : bf16
      %mul3A_323 = vector.broadcast %mul3A_322 : bf16 to vector<32xbf16>
      %mul3A_324 = arith.mulf %add3A_321, %mul3A_323 : vector<32xbf16>
      %max3A_325 = arith.maximumf %add3A_321, %mul3A_324 : vector<32xbf16>
      %add3A_326 = arith.addf %max3A_320, %max3A_325 : vector<32xbf16>
      %add3A_327 = arith.addf %bitcast3A_228, %bitcast3A_238 : vector<32xbf16>
      %mul3A_328 = arith.constant 2.001950e-01 : bf16
      %mul3A_329 = vector.broadcast %mul3A_328 : bf16 to vector<32xbf16>
      %mul3A_330 = arith.mulf %add3A_327, %mul3A_329 : vector<32xbf16>
      %max3A_331 = arith.maximumf %add3A_327, %mul3A_330 : vector<32xbf16>
      %add3A_332 = arith.addf %add3A_326, %max3A_331 : vector<32xbf16>
      %add3A_333 = arith.addf %bitcast3A_268, %bitcast3A_278 : vector<32xbf16>
      %mul3A_334 = arith.constant 2.001950e-01 : bf16
      %mul3A_335 = vector.broadcast %mul3A_334 : bf16 to vector<32xbf16>
      %mul3A_336 = arith.mulf %add3A_333, %mul3A_335 : vector<32xbf16>
      %max3A_337 = arith.maximumf %add3A_333, %mul3A_336 : vector<32xbf16>
      %add3A_338 = arith.addf %add3A_332, %max3A_337 : vector<32xbf16>
      %bitcast3A_339 = vector.bitcast %add3A_338 : vector<32xbf16> to vector<16xi32>
      %shift_left3A_340 = arith.constant 16 : i32
      %shift_left3A_341 = vector.broadcast %shift_left3A_340 : i32 to vector<16xi32>
      %shift_left3A_342 = arith.shli %bitcast3A_339, %shift_left3A_341 : vector<16xi32>
      %bitcast3A_343 = vector.bitcast %shift_left3A_342 : vector<16xi32> to vector<16xf32>
      %and3A_344 = arith.constant -65536 : i32
      %and3A_345 = vector.broadcast %and3A_344 : i32 to vector<16xi32>
      %and3A_346 = arith.andi %bitcast3A_339, %and3A_345 : vector<16xi32>
      %bitcast3A_347 = vector.bitcast %and3A_346 : vector<16xi32> to vector<16xf32>
      %swap3A_348 = arith.constant 32 : index
      %swap3A_349 = tpu.vector_load %arg7[%swap3A_348] {strides = array<i32>} : memref<256xf32, #tpu.memory_space<vmem>>, vector<16xf32>,
      tpu.vector_store %arg7[%swap3A_348], %bitcast3A_343 {strides = array<i32>} : memref<256xf32, #tpu.memory_space<vmem>>, vector<16xf32>,
      %swap3A_350 = arith.constant 48 : index
      %swap3A_351 = tpu.vector_load %arg7[%swap3A_350] {strides = array<i32>} : memref<256xf32, #tpu.memory_space<vmem>>, vector<16xf32>,
      tpu.vector_store %arg7[%swap3A_350], %bitcast3A_347 {strides = array<i32>} : memref<256xf32, #tpu.memory_space<vmem>>, vector<16xf32>,
      %add3A_352 = arith.addf %bitcast3A, %bitcast3A_143 : vector<32xbf16>
      %mul3A_353 = arith.constant 2.001950e-01 : bf16
      %mul3A_354 = vector.broadcast %mul3A_353 : bf16 to vector<32xbf16>
      %mul3A_355 = arith.mulf %add3A_352, %mul3A_354 : vector<32xbf16>
      %max3A_356 = arith.maximumf %add3A_352, %mul3A_355 : vector<32xbf16>
      %add3A_357 = arith.addf %bitcast3A_168, %bitcast3A_183 : vector<32xbf16>
      %mul3A_358 = arith.constant 2.001950e-01 : bf16
      %mul3A_359 = vector.broadcast %mul3A_358 : bf16 to vector<32xbf16>
      %mul3A_360 = arith.mulf %add3A_357, %mul3A_359 : vector<32xbf16>
      %max3A_361 = arith.maximumf %add3A_357, %mul3A_360 : vector<32xbf16>
      %add3A_362 = arith.addf %max3A_356, %max3A_361 : vector<32xbf16>
      %add3A_363 = arith.addf %bitcast3A_208, %bitcast3A_223 : vector<32xbf16>
      %mul3A_364 = arith.constant 2.001950e-01 : bf16
      %mul3A_365 = vector.broadcast %mul3A_364 : bf16 to vector<32xbf16>
      %mul3A_366 = arith.mulf %add3A_363, %mul3A_365 : vector<32xbf16>
      %max3A_367 = arith.maximumf %add3A_363, %mul3A_366 : vector<32xbf16>
      %add3A_368 = arith.addf %add3A_362, %max3A_367 : vector<32xbf16>
      %add3A_369 = arith.addf %bitcast3A_248, %bitcast3A_263 : vector<32xbf16>
      %mul3A_370 = arith.constant 2.001950e-01 : bf16
      %mul3A_371 = vector.broadcast %mul3A_370 : bf16 to vector<32xbf16>
      %mul3A_372 = arith.mulf %add3A_369, %mul3A_371 : vector<32xbf16>
      %max3A_373 = arith.maximumf %add3A_369, %mul3A_372 : vector<32xbf16>
      %add3A_374 = arith.addf %add3A_368, %max3A_373 : vector<32xbf16>
      %bitcast3A_375 = vector.bitcast %add3A_374 : vector<32xbf16> to vector<16xi32>
      %shift_left3A_376 = arith.constant 16 : i32
      %shift_left3A_377 = vector.broadcast %shift_left3A_376 : i32 to vector<16xi32>
      %shift_left3A_378 = arith.shli %bitcast3A_375, %shift_left3A_377 : vector<16xi32>
      %bitcast3A_379 = vector.bitcast %shift_left3A_378 : vector<16xi32> to vector<16xf32>
      %and3A_380 = arith.constant -65536 : i32
      %and3A_381 = vector.broadcast %and3A_380 : i32 to vector<16xi32>
      %and3A_382 = arith.andi %bitcast3A_375, %and3A_381 : vector<16xi32>
      %bitcast3A_383 = vector.bitcast %and3A_382 : vector<16xi32> to vector<16xf32>
      %swap3A_384 = arith.constant 64 : index
      %swap3A_385 = tpu.vector_load %arg7[%swap3A_384] {strides = array<i32>} : memref<256xf32, #tpu.memory_space<vmem>>, vector<16xf32>,
      tpu.vector_store %arg7[%swap3A_384], %bitcast3A_379 {strides = array<i32>} : memref<256xf32, #tpu.memory_space<vmem>>, vector<16xf32>,
      %swap3A_386 = arith.constant 80 : index
      %swap3A_387 = tpu.vector_load %arg7[%swap3A_386] {strides = array<i32>} : memref<256xf32, #tpu.memory_space<vmem>>, vector<16xf32>,
      tpu.vector_store %arg7[%swap3A_386], %bitcast3A_383 {strides = array<i32>} : memref<256xf32, #tpu.memory_space<vmem>>, vector<16xf32>,
      %add3A_388 = arith.addf %bitcast3A_148, %bitcast3A_163 : vector<32xbf16>
      %mul3A_389 = arith.constant 2.001950e-01 : bf16
      %mul3A_390 = vector.broadcast %mul3A_389 : bf16 to vector<32xbf16>
      %mul3A_391 = arith.mulf %add3A_388, %mul3A_390 : vector<32xbf16>
      %max3A_392 = arith.maximumf %add3A_388, %mul3A_391 : vector<32xbf16>
      %add3A_393 = arith.addf %bitcast3A_188, %bitcast3A_203 : vector<32xbf16>
      %mul3A_394 = arith.constant 2.001950e-01 : bf16
      %mul3A_395 = vector.broadcast %mul3A_394 : bf16 to vector<32xbf16>
      %mul3A_396 = arith.mulf %add3A_393, %mul3A_395 : vector<32xbf16>
      %max3A_397 = arith.maximumf %add3A_393, %mul3A_396 : vector<32xbf16>
      %add3A_398 = arith.addf %max3A_392, %max3A_397 : vector<32xbf16>
      %add3A_399 = arith.addf %bitcast3A_228, %bitcast3A_243 : vector<32xbf16>
      %mul3A_400 = arith.constant 2.001950e-01 : bf16
      %mul3A_401 = vector.broadcast %mul3A_400 : bf16 to vector<32xbf16>
      %mul3A_402 = arith.mulf %add3A_399, %mul3A_401 : vector<32xbf16>
      %max3A_403 = arith.maximumf %add3A_399, %mul3A_402 : vector<32xbf16>
      %add3A_404 = arith.addf %add3A_398, %max3A_403 : vector<32xbf16>
      %add3A_405 = arith.addf %bitcast3A_268, %bitcast3A_283 : vector<32xbf16>
      %mul3A_406 = arith.constant 2.001950e-01 : bf16
      %mul3A_407 = vector.broadcast %mul3A_406 : bf16 to vector<32xbf16>
      %mul3A_408 = arith.mulf %add3A_405, %mul3A_407 : vector<32xbf16>
      %max3A_409 = arith.maximumf %add3A_405, %mul3A_408 : vector<32xbf16>
      %add3A_410 = arith.addf %add3A_404, %max3A_409 : vector<32xbf16>
      %bitcast3A_411 = vector.bitcast %add3A_410 : vector<32xbf16> to vector<16xi32>
      %shift_left3A_412 = arith.constant 16 : i32
      %shift_left3A_413 = vector.broadcast %shift_left3A_412 : i32 to vector<16xi32>
      %shift_left3A_414 = arith.shli %bitcast3A_411, %shift_left3A_413 : vector<16xi32>
      %bitcast3A_415 = vector.bitcast %shift_left3A_414 : vector<16xi32> to vector<16xf32>
      %and3A_416 = arith.constant -65536 : i32
      %and3A_417 = vector.broadcast %and3A_416 : i32 to vector<16xi32>
      %and3A_418 = arith.andi %bitcast3A_411, %and3A_417 : vector<16xi32>
      %bitcast3A_419 = vector.bitcast %and3A_418 : vector<16xi32> to vector<16xf32>
      %swap3A_420 = arith.constant 96 : index
      %swap3A_421 = tpu.vector_load %arg7[%swap3A_420] {strides = array<i32>} : memref<256xf32, #tpu.memory_space<vmem>>, vector<16xf32>,
      tpu.vector_store %arg7[%swap3A_420], %bitcast3A_415 {strides = array<i32>} : memref<256xf32, #tpu.memory_space<vmem>>, vector<16xf32>,
      %swap3A_422 = arith.constant 112 : index
      %swap3A_423 = tpu.vector_load %arg7[%swap3A_422] {strides = array<i32>} : memref<256xf32, #tpu.memory_space<vmem>>, vector<16xf32>,
      tpu.vector_store %arg7[%swap3A_422], %bitcast3A_419 {strides = array<i32>} : memref<256xf32, #tpu.memory_space<vmem>>, vector<16xf32>,
      %add3A_424 = arith.addf %bitcast3A_133, %bitcast3A_138 : vector<32xbf16>
      %mul3A_425 = arith.constant 2.001950e-01 : bf16
      %mul3A_426 = vector.broadcast %mul3A_425 : bf16 to vector<32xbf16>
      %mul3A_427 = arith.mulf %add3A_424, %mul3A_426 : vector<32xbf16>
      %max3A_428 = arith.maximumf %add3A_424, %mul3A_427 : vector<32xbf16>
      %add3A_429 = arith.addf %bitcast3A_173, %bitcast3A_178 : vector<32xbf16>
      %mul3A_430 = arith.constant 2.001950e-01 : bf16
      %mul3A_431 = vector.broadcast %mul3A_430 : bf16 to vector<32xbf16>
      %mul3A_432 = arith.mulf %add3A_429, %mul3A_431 : vector<32xbf16>
      %max3A_433 = arith.maximumf %add3A_429, %mul3A_432 : vector<32xbf16>
      %add3A_434 = arith.addf %max3A_428, %max3A_433 : vector<32xbf16>
      %add3A_435 = arith.addf %bitcast3A_213, %bitcast3A_218 : vector<32xbf16>
      %mul3A_436 = arith.constant 2.001950e-01 : bf16
      %mul3A_437 = vector.broadcast %mul3A_436 : bf16 to vector<32xbf16>
      %mul3A_438 = arith.mulf %add3A_435, %mul3A_437 : vector<32xbf16>
      %max3A_439 = arith.maximumf %add3A_435, %mul3A_438 : vector<32xbf16>
      %add3A_440 = arith.addf %add3A_434, %max3A_439 : vector<32xbf16>
      %add3A_441 = arith.addf %bitcast3A_253, %bitcast3A_258 : vector<32xbf16>
      %mul3A_442 = arith.constant 2.001950e-01 : bf16
      %mul3A_443 = vector.broadcast %mul3A_442 : bf16 to vector<32xbf16>
      %mul3A_444 = arith.mulf %add3A_441, %mul3A_443 : vector<32xbf16>
      %max3A_445 = arith.maximumf %add3A_441, %mul3A_444 : vector<32xbf16>
      %add3A_446 = arith.addf %add3A_440, %max3A_445 : vector<32xbf16>
      %bitcast3A_447 = vector.bitcast %add3A_446 : vector<32xbf16> to vector<16xi32>
      %shift_left3A_448 = arith.constant 16 : i32
      %shift_left3A_449 = vector.broadcast %shift_left3A_448 : i32 to vector<16xi32>
      %shift_left3A_450 = arith.shli %bitcast3A_447, %shift_left3A_449 : vector<16xi32>
      %bitcast3A_451 = vector.bitcast %shift_left3A_450 : vector<16xi32> to vector<16xf32>
      %and3A_452 = arith.constant -65536 : i32
      %and3A_453 = vector.broadcast %and3A_452 : i32 to vector<16xi32>
      %and3A_454 = arith.andi %bitcast3A_447, %and3A_453 : vector<16xi32>
      %bitcast3A_455 = vector.bitcast %and3A_454 : vector<16xi32> to vector<16xf32>
      %swap3A_456 = arith.constant 128 : index
      %swap3A_457 = tpu.vector_load %arg7[%swap3A_456] {strides = array<i32>} : memref<256xf32, #tpu.memory_space<vmem>>, vector<16xf32>,
      tpu.vector_store %arg7[%swap3A_456], %bitcast3A_451 {strides = array<i32>} : memref<256xf32, #tpu.memory_space<vmem>>, vector<16xf32>,
      %swap3A_458 = arith.constant 144 : index
      %swap3A_459 = tpu.vector_load %arg7[%swap3A_458] {strides = array<i32>} : memref<256xf32, #tpu.memory_space<vmem>>, vector<16xf32>,
      tpu.vector_store %arg7[%swap3A_458], %bitcast3A_455 {strides = array<i32>} : memref<256xf32, #tpu.memory_space<vmem>>, vector<16xf32>,
      %add3A_460 = arith.addf %bitcast3A_153, %bitcast3A_158 : vector<32xbf16>
      %mul3A_461 = arith.constant 2.001950e-01 : bf16
      %mul3A_462 = vector.broadcast %mul3A_461 : bf16 to vector<32xbf16>
      %mul3A_463 = arith.mulf %add3A_460, %mul3A_462 : vector<32xbf16>
      %max3A_464 = arith.maximumf %add3A_460, %mul3A_463 : vector<32xbf16>
      %add3A_465 = arith.addf %bitcast3A_193, %bitcast3A_198 : vector<32xbf16>
      %mul3A_466 = arith.constant 2.001950e-01 : bf16
      %mul3A_467 = vector.broadcast %mul3A_466 : bf16 to vector<32xbf16>
      %mul3A_468 = arith.mulf %add3A_465, %mul3A_467 : vector<32xbf16>
      %max3A_469 = arith.maximumf %add3A_465, %mul3A_468 : vector<32xbf16>
      %add3A_470 = arith.addf %max3A_464, %max3A_469 : vector<32xbf16>
      %add3A_471 = arith.addf %bitcast3A_233, %bitcast3A_238 : vector<32xbf16>
      %mul3A_472 = arith.constant 2.001950e-01 : bf16
      %mul3A_473 = vector.broadcast %mul3A_472 : bf16 to vector<32xbf16>
      %mul3A_474 = arith.mulf %add3A_471, %mul3A_473 : vector<32xbf16>
      %max3A_475 = arith.maximumf %add3A_471, %mul3A_474 : vector<32xbf16>
      %add3A_476 = arith.addf %add3A_470, %max3A_475 : vector<32xbf16>
      %add3A_477 = arith.addf %bitcast3A_273, %bitcast3A_278 : vector<32xbf16>
      %mul3A_478 = arith.constant 2.001950e-01 : bf16
      %mul3A_479 = vector.broadcast %mul3A_478 : bf16 to vector<32xbf16>
      %mul3A_480 = arith.mulf %add3A_477, %mul3A_479 : vector<32xbf16>
      %max3A_481 = arith.maximumf %add3A_477, %mul3A_480 : vector<32xbf16>
      %add3A_482 = arith.addf %add3A_476, %max3A_481 : vector<32xbf16>
      %bitcast3A_483 = vector.bitcast %add3A_482 : vector<32xbf16> to vector<16xi32>
      %shift_left3A_484 = arith.constant 16 : i32
      %shift_left3A_485 = vector.broadcast %shift_left3A_484 : i32 to vector<16xi32>
      %shift_left3A_486 = arith.shli %bitcast3A_483, %shift_left3A_485 : vector<16xi32>
      %bitcast3A_487 = vector.bitcast %shift_left3A_486 : vector<16xi32> to vector<16xf32>
      %and3A_488 = arith.constant -65536 : i32
      %and3A_489 = vector.broadcast %and3A_488 : i32 to vector<16xi32>
      %and3A_490 = arith.andi %bitcast3A_483, %and3A_489 : vector<16xi32>
      %bitcast3A_491 = vector.bitcast %and3A_490 : vector<16xi32> to vector<16xf32>
      %swap3A_492 = arith.constant 160 : index
      %swap3A_493 = tpu.vector_load %arg7[%swap3A_492] {strides = array<i32>} : memref<256xf32, #tpu.memory_space<vmem>>, vector<16xf32>,
      tpu.vector_store %arg7[%swap3A_492], %bitcast3A_487 {strides = array<i32>} : memref<256xf32, #tpu.memory_space<vmem>>, vector<16xf32>,
      %swap3A_494 = arith.constant 176 : index
      %swap3A_495 = tpu.vector_load %arg7[%swap3A_494] {strides = array<i32>} : memref<256xf32, #tpu.memory_space<vmem>>, vector<16xf32>,
      tpu.vector_store %arg7[%swap3A_494], %bitcast3A_491 {strides = array<i32>} : memref<256xf32, #tpu.memory_space<vmem>>, vector<16xf32>,
      %add3A_496 = arith.addf %bitcast3A_133, %bitcast3A_143 : vector<32xbf16>
      %mul3A_497 = arith.constant 2.001950e-01 : bf16
      %mul3A_498 = vector.broadcast %mul3A_497 : bf16 to vector<32xbf16>
      %mul3A_499 = arith.mulf %add3A_496, %mul3A_498 : vector<32xbf16>
      %max3A_500 = arith.maximumf %add3A_496, %mul3A_499 : vector<32xbf16>
      %add3A_501 = arith.addf %bitcast3A_173, %bitcast3A_183 : vector<32xbf16>
      %mul3A_502 = arith.constant 2.001950e-01 : bf16
      %mul3A_503 = vector.broadcast %mul3A_502 : bf16 to vector<32xbf16>
      %mul3A_504 = arith.mulf %add3A_501, %mul3A_503 : vector<32xbf16>
      %max3A_505 = arith.maximumf %add3A_501, %mul3A_504 : vector<32xbf16>
      %add3A_506 = arith.addf %max3A_500, %max3A_505 : vector<32xbf16>
      %add3A_507 = arith.addf %bitcast3A_213, %bitcast3A_223 : vector<32xbf16>
      %mul3A_508 = arith.constant 2.001950e-01 : bf16
      %mul3A_509 = vector.broadcast %mul3A_508 : bf16 to vector<32xbf16>
      %mul3A_510 = arith.mulf %add3A_507, %mul3A_509 : vector<32xbf16>
      %max3A_511 = arith.maximumf %add3A_507, %mul3A_510 : vector<32xbf16>
      %add3A_512 = arith.addf %add3A_506, %max3A_511 : vector<32xbf16>
      %add3A_513 = arith.addf %bitcast3A_253, %bitcast3A_263 : vector<32xbf16>
      %mul3A_514 = arith.constant 2.001950e-01 : bf16
      %mul3A_515 = vector.broadcast %mul3A_514 : bf16 to vector<32xbf16>
      %mul3A_516 = arith.mulf %add3A_513, %mul3A_515 : vector<32xbf16>
      %max3A_517 = arith.maximumf %add3A_513, %mul3A_516 : vector<32xbf16>
      %add3A_518 = arith.addf %add3A_512, %max3A_517 : vector<32xbf16>
      %bitcast3A_519 = vector.bitcast %add3A_518 : vector<32xbf16> to vector<16xi32>
      %shift_left3A_520 = arith.constant 16 : i32
      %shift_left3A_521 = vector.broadcast %shift_left3A_520 : i32 to vector<16xi32>
      %shift_left3A_522 = arith.shli %bitcast3A_519, %shift_left3A_521 : vector<16xi32>
      %bitcast3A_523 = vector.bitcast %shift_left3A_522 : vector<16xi32> to vector<16xf32>
      %and3A_524 = arith.constant -65536 : i32
      %and3A_525 = vector.broadcast %and3A_524 : i32 to vector<16xi32>
      %and3A_526 = arith.andi %bitcast3A_519, %and3A_525 : vector<16xi32>
      %bitcast3A_527 = vector.bitcast %and3A_526 : vector<16xi32> to vector<16xf32>
      %swap3A_528 = arith.constant 192 : index
      %swap3A_529 = tpu.vector_load %arg7[%swap3A_528] {strides = array<i32>} : memref<256xf32, #tpu.memory_space<vmem>>, vector<16xf32>,
      tpu.vector_store %arg7[%swap3A_528], %bitcast3A_523 {strides = array<i32>} : memref<256xf32, #tpu.memory_space<vmem>>, vector<16xf32>,
      %swap3A_530 = arith.constant 208 : index
      %swap3A_531 = tpu.vector_load %arg7[%swap3A_530] {strides = array<i32>} : memref<256xf32, #tpu.memory_space<vmem>>, vector<16xf32>,
      tpu.vector_store %arg7[%swap3A_530], %bitcast3A_527 {strides = array<i32>} : memref<256xf32, #tpu.memory_space<vmem>>, vector<16xf32>,
      %add3A_532 = arith.addf %bitcast3A_153, %bitcast3A_163 : vector<32xbf16>
      %mul3A_533 = arith.constant 2.001950e-01 : bf16
      %mul3A_534 = vector.broadcast %mul3A_533 : bf16 to vector<32xbf16>
      %mul3A_535 = arith.mulf %add3A_532, %mul3A_534 : vector<32xbf16>
      %max3A_536 = arith.maximumf %add3A_532, %mul3A_535 : vector<32xbf16>
      %add3A_537 = arith.addf %bitcast3A_193, %bitcast3A_203 : vector<32xbf16>
      %mul3A_538 = arith.constant 2.001950e-01 : bf16
      %mul3A_539 = vector.broadcast %mul3A_538 : bf16 to vector<32xbf16>
      %mul3A_540 = arith.mulf %add3A_537, %mul3A_539 : vector<32xbf16>
      %max3A_541 = arith.maximumf %add3A_537, %mul3A_540 : vector<32xbf16>
      %add3A_542 = arith.addf %max3A_536, %max3A_541 : vector<32xbf16>
      %add3A_543 = arith.addf %bitcast3A_233, %bitcast3A_243 : vector<32xbf16>
      %mul3A_544 = arith.constant 2.001950e-01 : bf16
      %mul3A_545 = vector.broadcast %mul3A_544 : bf16 to vector<32xbf16>
      %mul3A_546 = arith.mulf %add3A_543, %mul3A_545 : vector<32xbf16>
      %max3A_547 = arith.maximumf %add3A_543, %mul3A_546 : vector<32xbf16>
      %add3A_548 = arith.addf %add3A_542, %max3A_547 : vector<32xbf16>
      %add3A_549 = arith.addf %bitcast3A_273, %bitcast3A_283 : vector<32xbf16>
      %mul3A_550 = arith.constant 2.001950e-01 : bf16
      %mul3A_551 = vector.broadcast %mul3A_550 : bf16 to vector<32xbf16>
      %mul3A_552 = arith.mulf %add3A_549, %mul3A_551 : vector<32xbf16>
      %max3A_553 = arith.maximumf %add3A_549, %mul3A_552 : vector<32xbf16>
      %add3A_554 = arith.addf %add3A_548, %max3A_553 : vector<32xbf16>
      %bitcast3A_555 = vector.bitcast %add3A_554 : vector<32xbf16> to vector<16xi32>
      %shift_left3A_556 = arith.constant 16 : i32
      %shift_left3A_557 = vector.broadcast %shift_left3A_556 : i32 to vector<16xi32>
      %shift_left3A_558 = arith.shli %bitcast3A_555, %shift_left3A_557 : vector<16xi32>
      %bitcast3A_559 = vector.bitcast %shift_left3A_558 : vector<16xi32> to vector<16xf32>
      %and3A_560 = arith.constant -65536 : i32
      %and3A_561 = vector.broadcast %and3A_560 : i32 to vector<16xi32>
      %and3A_562 = arith.andi %bitcast3A_555, %and3A_561 : vector<16xi32>
      %bitcast3A_563 = vector.bitcast %and3A_562 : vector<16xi32> to vector<16xf32>
      %swap3A_564 = arith.constant 224 : index
      %swap3A_565 = tpu.vector_load %arg7[%swap3A_564] {strides = array<i32>} : memref<256xf32, #tpu.memory_space<vmem>>, vector<16xf32>,
      tpu.vector_store %arg7[%swap3A_564], %bitcast3A_559 {strides = array<i32>} : memref<256xf32, #tpu.memory_space<vmem>>, vector<16xf32>,
      %swap3A_566 = arith.constant 240 : index
      %swap3A_567 = tpu.vector_load %arg7[%swap3A_566] {strides = array<i32>} : memref<256xf32, #tpu.memory_space<vmem>>, vector<16xf32>,
      tpu.vector_store %arg7[%swap3A_566], %bitcast3A_563 {strides = array<i32>} : memref<256xf32, #tpu.memory_space<vmem>>, vector<16xf32>,
      %mul3A_568 = arith.constant 16 : i32
      %mul3A_569 = vector.broadcast %mul3A_568 : i32 to vector<16xi32>
      %mul3A_570 = arith.muli %iota3A, %mul3A_569 : vector<16xi32>
      %gather3A_571 = tpu.vector_load_idx %arg7[%mul3A_570] : memref<256xf32, #tpu.memory_space<vmem>>[vector<16xi32>], vector<16xf32>,
      %mul3A_572 = arith.constant 16 : i32
      %mul3A_573 = vector.broadcast %mul3A_572 : i32 to vector<16xi32>
      %mul3A_574 = arith.muli %iota3A, %mul3A_573 : vector<16xi32>
      %add3A_575 = arith.constant 1 : i32
      %add3A_576 = vector.broadcast %add3A_575 : i32 to vector<16xi32>
      %add3A_577 = arith.addi %mul3A_574, %add3A_576 : vector<16xi32>
      %gather3A_578 = tpu.vector_load_idx %arg7[%add3A_577] : memref<256xf32, #tpu.memory_space<vmem>>[vector<16xi32>], vector<16xf32>,
      %add3A_579 = arith.addf %gather3A_571, %gather3A_578 : vector<16xf32>
      %mul3A_580 = arith.constant 16 : i32
      %mul3A_581 = vector.broadcast %mul3A_580 : i32 to vector<16xi32>
      %mul3A_582 = arith.muli %iota3A, %mul3A_581 : vector<16xi32>
      %add3A_583 = arith.constant 2 : i32
      %add3A_584 = vector.broadcast %add3A_583 : i32 to vector<16xi32>
      %add3A_585 = arith.addi %mul3A_582, %add3A_584 : vector<16xi32>
      %gather3A_586 = tpu.vector_load_idx %arg7[%add3A_585] : memref<256xf32, #tpu.memory_space<vmem>>[vector<16xi32>], vector<16xf32>,
      %add3A_587 = arith.addf %add3A_579, %gather3A_586 : vector<16xf32>
      %mul3A_588 = arith.constant 16 : i32
      %mul3A_589 = vector.broadcast %mul3A_588 : i32 to vector<16xi32>
      %mul3A_590 = arith.muli %iota3A, %mul3A_589 : vector<16xi32>
      %add3A_591 = arith.constant 3 : i32
      %add3A_592 = vector.broadcast %add3A_591 : i32 to vector<16xi32>
      %add3A_593 = arith.addi %mul3A_590, %add3A_592 : vector<16xi32>
      %gather3A_594 = tpu.vector_load_idx %arg7[%add3A_593] : memref<256xf32, #tpu.memory_space<vmem>>[vector<16xi32>], vector<16xf32>,
      %add3A_595 = arith.addf %add3A_587, %gather3A_594 : vector<16xf32>
      %mul3A_596 = arith.constant 16 : i32
      %mul3A_597 = vector.broadcast %mul3A_596 : i32 to vector<16xi32>
      %mul3A_598 = arith.muli %iota3A, %mul3A_597 : vector<16xi32>
      %add3A_599 = arith.constant 4 : i32
      %add3A_600 = vector.broadcast %add3A_599 : i32 to vector<16xi32>
      %add3A_601 = arith.addi %mul3A_598, %add3A_600 : vector<16xi32>
      %gather3A_602 = tpu.vector_load_idx %arg7[%add3A_601] : memref<256xf32, #tpu.memory_space<vmem>>[vector<16xi32>], vector<16xf32>,
      %add3A_603 = arith.addf %add3A_595, %gather3A_602 : vector<16xf32>
      %mul3A_604 = arith.constant 16 : i32
      %mul3A_605 = vector.broadcast %mul3A_604 : i32 to vector<16xi32>
      %mul3A_606 = arith.muli %iota3A, %mul3A_605 : vector<16xi32>
      %add3A_607 = arith.constant 5 : i32
      %add3A_608 = vector.broadcast %add3A_607 : i32 to vector<16xi32>
      %add3A_609 = arith.addi %mul3A_606, %add3A_608 : vector<16xi32>
      %gather3A_610 = tpu.vector_load_idx %arg7[%add3A_609] : memref<256xf32, #tpu.memory_space<vmem>>[vector<16xi32>], vector<16xf32>,
      %add3A_611 = arith.addf %add3A_603, %gather3A_610 : vector<16xf32>
      %mul3A_612 = arith.constant 16 : i32
      %mul3A_613 = vector.broadcast %mul3A_612 : i32 to vector<16xi32>
      %mul3A_614 = arith.muli %iota3A, %mul3A_613 : vector<16xi32>
      %add3A_615 = arith.constant 6 : i32
      %add3A_616 = vector.broadcast %add3A_615 : i32 to vector<16xi32>
      %add3A_617 = arith.addi %mul3A_614, %add3A_616 : vector<16xi32>
      %gather3A_618 = tpu.vector_load_idx %arg7[%add3A_617] : memref<256xf32, #tpu.memory_space<vmem>>[vector<16xi32>], vector<16xf32>,
      %add3A_619 = arith.addf %add3A_611, %gather3A_618 : vector<16xf32>
      %mul3A_620 = arith.constant 16 : i32
      %mul3A_621 = vector.broadcast %mul3A_620 : i32 to vector<16xi32>
      %mul3A_622 = arith.muli %iota3A, %mul3A_621 : vector<16xi32>
      %add3A_623 = arith.constant 7 : i32
      %add3A_624 = vector.broadcast %add3A_623 : i32 to vector<16xi32>
      %add3A_625 = arith.addi %mul3A_622, %add3A_624 : vector<16xi32>
      %gather3A_626 = tpu.vector_load_idx %arg7[%add3A_625] : memref<256xf32, #tpu.memory_space<vmem>>[vector<16xi32>], vector<16xf32>,
      %add3A_627 = arith.addf %add3A_619, %gather3A_626 : vector<16xf32>
      %mul3A_628 = arith.constant 16 : i32
      %mul3A_629 = vector.broadcast %mul3A_628 : i32 to vector<16xi32>
      %mul3A_630 = arith.muli %iota3A, %mul3A_629 : vector<16xi32>
      %add3A_631 = arith.constant 8 : i32
      %add3A_632 = vector.broadcast %add3A_631 : i32 to vector<16xi32>
      %add3A_633 = arith.addi %mul3A_630, %add3A_632 : vector<16xi32>
      %gather3A_634 = tpu.vector_load_idx %arg7[%add3A_633] : memref<256xf32, #tpu.memory_space<vmem>>[vector<16xi32>], vector<16xf32>,
      %add3A_635 = arith.addf %add3A_627, %gather3A_634 : vector<16xf32>
      %mul3A_636 = arith.constant 16 : i32
      %mul3A_637 = vector.broadcast %mul3A_636 : i32 to vector<16xi32>
      %mul3A_638 = arith.muli %iota3A, %mul3A_637 : vector<16xi32>
      %add3A_639 = arith.constant 9 : i32
      %add3A_640 = vector.broadcast %add3A_639 : i32 to vector<16xi32>
      %add3A_641 = arith.addi %mul3A_638, %add3A_640 : vector<16xi32>
      %gather3A_642 = tpu.vector_load_idx %arg7[%add3A_641] : memref<256xf32, #tpu.memory_space<vmem>>[vector<16xi32>], vector<16xf32>,
      %add3A_643 = arith.addf %add3A_635, %gather3A_642 : vector<16xf32>
      %mul3A_644 = arith.constant 16 : i32
      %mul3A_645 = vector.broadcast %mul3A_644 : i32 to vector<16xi32>
      %mul3A_646 = arith.muli %iota3A, %mul3A_645 : vector<16xi32>
      %add3A_647 = arith.constant 10 : i32
      %add3A_648 = vector.broadcast %add3A_647 : i32 to vector<16xi32>
      %add3A_649 = arith.addi %mul3A_646, %add3A_648 : vector<16xi32>
      %gather3A_650 = tpu.vector_load_idx %arg7[%add3A_649] : memref<256xf32, #tpu.memory_space<vmem>>[vector<16xi32>], vector<16xf32>,
      %add3A_651 = arith.addf %add3A_643, %gather3A_650 : vector<16xf32>
      %mul3A_652 = arith.constant 16 : i32
      %mul3A_653 = vector.broadcast %mul3A_652 : i32 to vector<16xi32>
      %mul3A_654 = arith.muli %iota3A, %mul3A_653 : vector<16xi32>
      %add3A_655 = arith.constant 11 : i32
      %add3A_656 = vector.broadcast %add3A_655 : i32 to vector<16xi32>
      %add3A_657 = arith.addi %mul3A_654, %add3A_656 : vector<16xi32>
      %gather3A_658 = tpu.vector_load_idx %arg7[%add3A_657] : memref<256xf32, #tpu.memory_space<vmem>>[vector<16xi32>], vector<16xf32>,
      %add3A_659 = arith.addf %add3A_651, %gather3A_658 : vector<16xf32>
      %mul3A_660 = arith.constant 16 : i32
      %mul3A_661 = vector.broadcast %mul3A_660 : i32 to vector<16xi32>
      %mul3A_662 = arith.muli %iota3A, %mul3A_661 : vector<16xi32>
      %add3A_663 = arith.constant 12 : i32
      %add3A_664 = vector.broadcast %add3A_663 : i32 to vector<16xi32>
      %add3A_665 = arith.addi %mul3A_662, %add3A_664 : vector<16xi32>
      %gather3A_666 = tpu.vector_load_idx %arg7[%add3A_665] : memref<256xf32, #tpu.memory_space<vmem>>[vector<16xi32>], vector<16xf32>,
      %add3A_667 = arith.addf %add3A_659, %gather3A_666 : vector<16xf32>
      %mul3A_668 = arith.constant 16 : i32
      %mul3A_669 = vector.broadcast %mul3A_668 : i32 to vector<16xi32>
      %mul3A_670 = arith.muli %iota3A, %mul3A_669 : vector<16xi32>
      %add3A_671 = arith.constant 13 : i32
      %add3A_672 = vector.broadcast %add3A_671 : i32 to vector<16xi32>
      %add3A_673 = arith.addi %mul3A_670, %add3A_672 : vector<16xi32>
      %gather3A_674 = tpu.vector_load_idx %arg7[%add3A_673] : memref<256xf32, #tpu.memory_space<vmem>>[vector<16xi32>], vector<16xf32>,
      %add3A_675 = arith.addf %add3A_667, %gather3A_674 : vector<16xf32>
      %mul3A_676 = arith.constant 16 : i32
      %mul3A_677 = vector.broadcast %mul3A_676 : i32 to vector<16xi32>
      %mul3A_678 = arith.muli %iota3A, %mul3A_677 : vector<16xi32>
      %add3A_679 = arith.constant 14 : i32
      %add3A_680 = vector.broadcast %add3A_679 : i32 to vector<16xi32>
      %add3A_681 = arith.addi %mul3A_678, %add3A_680 : vector<16xi32>
      %gather3A_682 = tpu.vector_load_idx %arg7[%add3A_681] : memref<256xf32, #tpu.memory_space<vmem>>[vector<16xi32>], vector<16xf32>,
      %add3A_683 = arith.addf %add3A_675, %gather3A_682 : vector<16xf32>
      %mul3A_684 = arith.constant 16 : i32
      %mul3A_685 = vector.broadcast %mul3A_684 : i32 to vector<16xi32>
      %mul3A_686 = arith.muli %iota3A, %mul3A_685 : vector<16xi32>
      %add3A_687 = arith.constant 15 : i32
      %add3A_688 = vector.broadcast %add3A_687 : i32 to vector<16xi32>
      %add3A_689 = arith.addi %mul3A_686, %add3A_688 : vector<16xi32>
      %gather3A_690 = tpu.vector_load_idx %arg7[%add3A_689] : memref<256xf32, #tpu.memory_space<vmem>>[vector<16xi32>], vector<16xf32>,
      %add3A_691 = arith.addf %add3A_683, %gather3A_690 : vector<16xf32>
      %mul3A_692 = arith.constant 1.562500e-02 : f32
      %mul3A_693 = vector.broadcast %mul3A_692 : f32 to vector<16xf32>
      %mul3A_694 = arith.mulf %add3A_691, %mul3A_693 : vector<16xf32>
      %exp3A = math.exp %mul3A_694 : vector<16xf32>
      %swap3A_695 = arith.constant 0 : index
      %swap3A_696 = tpu.vector_load %arg8[%swap3A_695] {strides = array<i32>} : memref<16xf32, #tpu.memory_space<vmem>>, vector<16xf32>,
      tpu.vector_store %arg8[%swap3A_695], %exp3A {strides = array<i32>} : memref<16xf32, #tpu.memory_space<vmem>>, vector<16xf32>,
      %gather3A_697 = tpu.vector_load_idx %arg8[%xor3A_4] : memref<16xf32, #tpu.memory_space<vmem>>[vector<16xi32>], vector<16xf32>,
      %add3A_698 = arith.addf %exp3A, %gather3A_697 : vector<16xf32>
      %div3A = arith.divf %exp3A, %add3A_698 : vector<16xf32>
      %mul3A_699 = arith.constant 16 : i32
      %mul3A_700 = arith.muli %scan3A_12, %mul3A_699 : i32
      %swap3A_701 = arith.index_cast %mul3A_700 : i32 to index
      %swap3A_702 = tpu.vector_load %arg9[%swap3A_701] {strides = array<i32>} : memref<512xf32, #tpu.memory_space<vmem>>, vector<16xf32>,
      tpu.vector_store %arg9[%swap3A_701], %div3A {strides = array<i32>} : memref<512xf32, #tpu.memory_space<vmem>>, vector<16xf32>,
    }
    %scan3A_9 = arith.constant 32 : i32
    %mul3A_10 = arith.constant 512 : i32
    %mul3A_11 = arith.muli %add3A, %mul3A_10 : i32
    "tpu.region"() ({
      %run_scoped3A = tpu.sem_alloc : memref<!tpu.dma_semaphore, #tpu.memory_space<semaphore_mem>>
      %dma_start3A = tpu.memref_slice %arg4[%mul3A_11] : memref<8192xf32, #tpu.memory_space<hbm>> -> memref<512xf32, #tpu.memory_space<hbm>>
      %dma_start3A_12 = tpu.memref_slice %arg4[%mul3A_11] : memref<8192xf32, #tpu.memory_space<hbm>> -> memref<512xf32, #tpu.memory_space<hbm>>
      tpu.enqueue_dma source(%arg9 : memref<512xf32, #tpu.memory_space<vmem>>) target(%dma_start3A_12 : memref<512xf32, #tpu.memory_space<hbm>>) target_semaphore(%run_scoped3A : memref<!tpu.dma_semaphore, #tpu.memory_space<semaphore_mem>>)
      %dma_wait3A = tpu.memref_slice %arg4[%mul3A_11] : memref<8192xf32, #tpu.memory_space<hbm>> -> memref<512xf32, #tpu.memory_space<hbm>>
      %dma_wait3A_13 = tpu.memref_slice %arg4[%mul3A_11] : memref<8192xf32, #tpu.memory_space<hbm>> -> memref<512xf32, #tpu.memory_space<hbm>>
      tpu.wait_dma2 semaphore(%run_scoped3A : memref<!tpu.dma_semaphore, #tpu.memory_space<semaphore_mem>>) src(%arg9 : memref<512xf32, #tpu.memory_space<vmem>>) dst(%dma_wait3A_13 : memref<512xf32, #tpu.memory_space<hbm>>)
      tpu.yield
    }) : () -> ()
    return
  }
}

module attributes {stable_mosaic.version = 14 : i64} {
  func.func @_tc_body(%arg0: memref<10000x128xf32, #tpu.memory_space<vmem>>, %arg1: memref<512x128xf32, #tpu.memory_space<vmem>>, %arg2: memref<1x4x256xf32, #tpu.memory_space<vmem>>, %arg3: memref<4x10000xi32, #tpu.memory_space<vmem>>) attributes {dimension_semantics = [], scalar_prefetch = 0 : i64, scratch_operands = 0 : i64, tpu.core_type = #tpu.core_type<tc>} {
    %get3A = arith.constant 0 : index
    %get3A_0 = arith.constant 0 : index
    %get3A_1 = vector.load %arg1[%get3A, %get3A_0] : memref<512x128xf32, #tpu.memory_space<vmem>>, vector<512x128xf32>
    %get3A_2 = arith.constant 0 : index
    %get3A_3 = arith.constant 0 : index
    %get3A_4 = arith.constant 0 : index
    %get3A_5 = vector.load %arg2[%get3A_2, %get3A_3, %get3A_4] : memref<1x4x256xf32, #tpu.memory_space<vmem>>, vector<1x4x256xf32>
    %reshape3A = vector.shape_cast %get3A_5 : vector<1x4x256xf32> to vector<4x256xf32>
    %slice3A = vector.extract_strided_slice %reshape3A {offsets = [0, 0], sizes = [1, 128], strides = [1, 1]} : vector<4x256xf32> to vector<1x128xf32>
    %slice3A_6 = vector.extract_strided_slice %get3A_1 {offsets = [0, 0], sizes = [128, 128], strides = [1, 1]} : vector<512x128xf32> to vector<128x128xf32>
    %dot_general3A = arith.constant dense<0.000000e+00> : vector<1x128xf32>
    %dot_general3A_7 = tpu.matmul %slice3A, %slice3A_6, %dot_general3A {dimension_numbers = #tpu.dot_dimension_numbers<[1], [0], [0], [1], [0, 0, 1, 1], [], []>, precision = #tpu.contract_precision<fp32>, transpose_lhs_hint = false} : vector<1x128xf32>, vector<128x128xf32>, vector<1x128xf32> -> vector<1x128xf32>
    %slice3A_8 = vector.extract_strided_slice %reshape3A {offsets = [2, 0], sizes = [1, 128], strides = [1, 1]} : vector<4x256xf32> to vector<1x128xf32>
    %slice3A_9 = vector.extract_strided_slice %get3A_1 {offsets = [256, 0], sizes = [128, 128], strides = [1, 1]} : vector<512x128xf32> to vector<128x128xf32>
    %dot_general3A_10 = arith.constant dense<0.000000e+00> : vector<1x128xf32>
    %dot_general3A_11 = tpu.matmul %slice3A_8, %slice3A_9, %dot_general3A_10 {dimension_numbers = #tpu.dot_dimension_numbers<[1], [0], [0], [1], [0, 0, 1, 1], [], []>, precision = #tpu.contract_precision<fp32>, transpose_lhs_hint = false} : vector<1x128xf32>, vector<128x128xf32>, vector<1x128xf32> -> vector<1x128xf32>
    %slice3A_12 = vector.extract_strided_slice %reshape3A {offsets = [0, 128], sizes = [1, 128], strides = [1, 1]} : vector<4x256xf32> to vector<1x128xf32>
    %slice3A_13 = vector.extract_strided_slice %get3A_1 {offsets = [0, 0], sizes = [128, 128], strides = [1, 1]} : vector<512x128xf32> to vector<128x128xf32>
    %dot_general3A_14 = arith.constant dense<0.000000e+00> : vector<1x128xf32>
    %dot_general3A_15 = tpu.matmul %slice3A_12, %slice3A_13, %dot_general3A_14 {dimension_numbers = #tpu.dot_dimension_numbers<[1], [0], [0], [1], [0, 0, 1, 1], [], []>, precision = #tpu.contract_precision<fp32>, transpose_lhs_hint = false} : vector<1x128xf32>, vector<128x128xf32>, vector<1x128xf32> -> vector<1x128xf32>
    %slice3A_16 = vector.extract_strided_slice %reshape3A {offsets = [2, 128], sizes = [1, 128], strides = [1, 1]} : vector<4x256xf32> to vector<1x128xf32>
    %slice3A_17 = vector.extract_strided_slice %get3A_1 {offsets = [256, 0], sizes = [128, 128], strides = [1, 1]} : vector<512x128xf32> to vector<128x128xf32>
    %dot_general3A_18 = arith.constant dense<0.000000e+00> : vector<1x128xf32>
    %dot_general3A_19 = tpu.matmul %slice3A_16, %slice3A_17, %dot_general3A_18 {dimension_numbers = #tpu.dot_dimension_numbers<[1], [0], [0], [1], [0, 0, 1, 1], [], []>, precision = #tpu.contract_precision<fp32>, transpose_lhs_hint = false} : vector<1x128xf32>, vector<128x128xf32>, vector<1x128xf32> -> vector<1x128xf32>
    %slice3A_20 = vector.extract_strided_slice %reshape3A {offsets = [1, 0], sizes = [1, 128], strides = [1, 1]} : vector<4x256xf32> to vector<1x128xf32>
    %slice3A_21 = vector.extract_strided_slice %get3A_1 {offsets = [128, 0], sizes = [128, 128], strides = [1, 1]} : vector<512x128xf32> to vector<128x128xf32>
    %dot_general3A_22 = arith.constant dense<0.000000e+00> : vector<1x128xf32>
    %dot_general3A_23 = tpu.matmul %slice3A_20, %slice3A_21, %dot_general3A_22 {dimension_numbers = #tpu.dot_dimension_numbers<[1], [0], [0], [1], [0, 0, 1, 1], [], []>, precision = #tpu.contract_precision<fp32>, transpose_lhs_hint = false} : vector<1x128xf32>, vector<128x128xf32>, vector<1x128xf32> -> vector<1x128xf32>
    %slice3A_24 = vector.extract_strided_slice %reshape3A {offsets = [3, 0], sizes = [1, 128], strides = [1, 1]} : vector<4x256xf32> to vector<1x128xf32>
    %slice3A_25 = vector.extract_strided_slice %get3A_1 {offsets = [384, 0], sizes = [128, 128], strides = [1, 1]} : vector<512x128xf32> to vector<128x128xf32>
    %dot_general3A_26 = arith.constant dense<0.000000e+00> : vector<1x128xf32>
    %dot_general3A_27 = tpu.matmul %slice3A_24, %slice3A_25, %dot_general3A_26 {dimension_numbers = #tpu.dot_dimension_numbers<[1], [0], [0], [1], [0, 0, 1, 1], [], []>, precision = #tpu.contract_precision<fp32>, transpose_lhs_hint = false} : vector<1x128xf32>, vector<128x128xf32>, vector<1x128xf32> -> vector<1x128xf32>
    %slice3A_28 = vector.extract_strided_slice %reshape3A {offsets = [1, 128], sizes = [1, 128], strides = [1, 1]} : vector<4x256xf32> to vector<1x128xf32>
    %slice3A_29 = vector.extract_strided_slice %get3A_1 {offsets = [128, 0], sizes = [128, 128], strides = [1, 1]} : vector<512x128xf32> to vector<128x128xf32>
    %dot_general3A_30 = arith.constant dense<0.000000e+00> : vector<1x128xf32>
    %dot_general3A_31 = tpu.matmul %slice3A_28, %slice3A_29, %dot_general3A_30 {dimension_numbers = #tpu.dot_dimension_numbers<[1], [0], [0], [1], [0, 0, 1, 1], [], []>, precision = #tpu.contract_precision<fp32>, transpose_lhs_hint = false} : vector<1x128xf32>, vector<128x128xf32>, vector<1x128xf32> -> vector<1x128xf32>
    %slice3A_32 = vector.extract_strided_slice %reshape3A {offsets = [3, 128], sizes = [1, 128], strides = [1, 1]} : vector<4x256xf32> to vector<1x128xf32>
    %slice3A_33 = vector.extract_strided_slice %get3A_1 {offsets = [384, 0], sizes = [128, 128], strides = [1, 1]} : vector<512x128xf32> to vector<128x128xf32>
    %dot_general3A_34 = arith.constant dense<0.000000e+00> : vector<1x128xf32>
    %dot_general3A_35 = tpu.matmul %slice3A_32, %slice3A_33, %dot_general3A_34 {dimension_numbers = #tpu.dot_dimension_numbers<[1], [0], [0], [1], [0, 0, 1, 1], [], []>, precision = #tpu.contract_precision<fp32>, transpose_lhs_hint = false} : vector<1x128xf32>, vector<128x128xf32>, vector<1x128xf32> -> vector<1x128xf32>
    %concatenate3A = tpu.concatenate %dot_general3A_7, %dot_general3A_11, %dot_general3A_15, %dot_general3A_19, %dot_general3A_23, %dot_general3A_27, %dot_general3A_31, %dot_general3A_35 in 0 : vector<1x128xf32>, vector<1x128xf32>, vector<1x128xf32>, vector<1x128xf32>, vector<1x128xf32>, vector<1x128xf32>, vector<1x128xf32>, vector<1x128xf32> -> vector<8x128xf32>
    %get3A_36 = arith.constant 0 : index
    %get3A_37 = arith.constant 0 : index
    %get3A_38 = vector.load %arg0[%get3A_36, %get3A_37] : memref<10000x128xf32, #tpu.memory_space<vmem>>, vector<10000x128xf32>
    %dot_general3A_39 = arith.constant dense<0.000000e+00> : vector<8x10000xf32>
    %dot_general3A_40 = tpu.matmul %concatenate3A, %get3A_38, %dot_general3A_39 {dimension_numbers = #tpu.dot_dimension_numbers<[1], [1], [0], [0], [0, 0, 1, 0], [], []>, transpose_lhs_hint = false} : vector<8x128xf32>, vector<10000x128xf32>, vector<8x10000xf32> -> vector<8x10000xf32>
    %slice3A_41 = vector.extract_strided_slice %dot_general3A_40 {offsets = [0, 0], sizes = [4, 10000], strides = [1, 1]} : vector<8x10000xf32> to vector<4x10000xf32>
    %convert_element_type3A = arith.truncf %slice3A_41 : vector<4x10000xf32> to vector<4x10000xbf16>
    %bitcast_convert_type3A = tpu.bitcast %convert_element_type3A : vector<4x10000xbf16> -> vector<4x10000xi16>
    %slice3A_42 = vector.extract_strided_slice %dot_general3A_40 {offsets = [4, 0], sizes = [4, 10000], strides = [1, 1]} : vector<8x10000xf32> to vector<4x10000xf32>
    %convert_element_type3A_43 = arith.truncf %slice3A_42 : vector<4x10000xf32> to vector<4x10000xbf16>
    %bitcast_convert_type3A_44 = tpu.bitcast %convert_element_type3A_43 : vector<4x10000xbf16> -> vector<4x10000xi16>
    %convert_element_type3A_45 = arith.extui %bitcast_convert_type3A : vector<4x10000xi16> to vector<4x10000xi32>
    %convert_element_type3A_46 = arith.extui %bitcast_convert_type3A_44 : vector<4x10000xi16> to vector<4x10000xi32>
    %shift_left3A = arith.constant 16 : i32
    %shift_left3A_47 = vector.broadcast %shift_left3A : i32 to vector<4x10000xi32>
    %shift_left3A_48 = arith.shli %convert_element_type3A_46, %shift_left3A_47 : vector<4x10000xi32>
    %or3A = arith.ori %convert_element_type3A_45, %shift_left3A_48 : vector<4x10000xi32>
    %swap3A = arith.constant 0 : index
    %swap3A_49 = arith.constant 0 : index
    %swap3A_50 = vector.load %arg3[%swap3A, %swap3A_49] : memref<4x10000xi32, #tpu.memory_space<vmem>>, vector<4x10000xi32>
    tpu.vector_store %arg3[%swap3A, %swap3A_49], %or3A {strides = array<i32>} : memref<4x10000xi32, #tpu.memory_space<vmem>>, vector<4x10000xi32>,
    return
  }
}

</mosaic_0001>

<sc_bundles>
// kernel: kernel.4.cloned.1.call-start
scs
__scs_entry_jumppad:
0x0: {  	(pc) =	sbr.rel $0x88, $3  }
0x1: {  	(tag) =	ssettag $0x0;
	lr =	simm.s32 $0x1  }
0x2: {  	[smem:$0x3F9D] =	sst lr;
	_ =	strace $0xD0000000  }
0x3: {  	_ = 	snop  }
0x4: {  	_ = 	snop  }
0x5: {  	_ = 	snop  }
0x6: {  	_ = 	snop  }
0x7: {  	_ = 	snop  }
__scs_overlays_trampoline_lowered:
0x8: {  	[smem:$0x3FAC] =	sst s0  }
0x9: {  	[smem:$0x3FAD] =	sst s1  }
0xa: {  	[smem:$0x3FAE] =	sst s2  }
0xb: {  	[smem:$0x3FAF] =	sst s3  }
0xc: {  	[smem:$0x3FB0] =	sst s4  }
0xd: {  	[smem:$0x3FB1] =	sst s5  }
0xe: {  	[smem:$0x3FB2] =	sst s6  }
0xf: {  	[smem:$0x3FB3] =	sst s7  }
0x10: {  	[smem:$0x3FB4] =	sst s8  }
0x11: {  	[smem:$0x3FB5] =	sst s9;
	s0 =	simm.s32 @!p0 $0x0  }
0x12: {  	s1 =	sld [smem:$0x3F9B];
	s0 =	simm.s32 @p0 $0x1  }
0x13: {  	[smem:$0x3FB6] =	sst s0;
	s0 =	simm.s32 @!p1 $0x0  }
0x14: {  	s2 =	sld [smem:$0x3F9A];
	s0 =	simm.s32 @p1 $0x1  }
0x15: {  	[smem:$0x3FB7] =	sst s0;
	s0 =	simm.s32 @!p2 $0x0  }
0x16: {  	s3 =	sld [smem:$0x3FDB];
	s0 =	simm.s32 @p2 $0x1  }
0x17: {  	s4 =	simm.s32 $0x1BF5;
	[smem:$0x3FB9] =	sst s0  }
0x18: {  	s0 =	sld [smem:$0x3F9C];
	_ =	swait.ge [sflag:s4], $0x0  }
0x19: {  	s7 =	sld [smem:$0x3F9D]  }
0x1a: {  	s8 =	sadd.s32 $0xFFFFE003, lr  }
0x1b: {  	s9 =	sadd.s32 $0xFFFFFEF7, lr;
	s5 =	simm.s32 $0xFFFFFFFF;
	p2 =	slt.u32 s8, $0xFFFFF086  }
0x1c: {  	p1 =	slt.u32 s9, $0xF7A;
	s5 =	simm.s32 @!p2 $0x0  }
0x1d: {  	s5 =	simm.s32 @p1 $0x1;
	p0 =	seq.s32 s7, s2  }
0x1e: {  	s7 =	smul.u32 @!p0 $0xF7A, s2;
	p2 =	seq.s32 @!p0 s5, $0x0  }
0x1f: {  	s9 =	smul.u32 $0xF7A, s1;
	s8 =	simm.s32 @!p0 $0x1BF5;
	p2 =	por !p2, p0  }
0x20: {  	[sflag:s8] =	ssyncset.s32 @!p0 $0xFFFFF086;
	s6 =	sadd.s32 @!p0 s3, s7;
	s7 =	simm.s32 @!p0 $0x108  }
0x21: {  	s3 =	sadd.s32 s3, s9;
	s6 =	sadd.s32 @!p0 $0x88, s6;
	s7 =	simm.s32 @p2 $0x1082  }
0x22: {  	[simem:s7], [sflag:s8] =	dma.local @!p0 [hbm:s6], $0xF7A  }
0x23: {  	s9 =	sor.u32 $0xD0000000, s2;
	s6 =	simm.s32 $0x108;
	_ =	swait.ge @!p0 [sflag:s8], $0x0  }
0x24: {  	s3 =	sadd.s32 $0x88, s3;
	s6 =	simm.s32 @!p1 $0x1082;
	[sflag:s4] =	ssyncset.s32 $0xFFFFF086  }
0x25: {  	[simem:s6], [sflag:s4] =	dma.local [hbm:s3], $0xF7A  }
0x26: {  	[smem:$0x3F9D] =	sst s1;
	(tag) =	ssettag s2;
	_ =	strace s9  }
0x27: {  	s1 =	sld [smem:$0x3FAD]  }
0x28: {  	s2 =	sld [smem:$0x3FAE]  }
0x29: {  	s4 =	sld [smem:$0x3FB0]  }
0x2a: {  	p0 =	seq.s32 s5, $0x0;
	s5 =	sld [smem:$0x3FB1]  }
0x2b: {  	s6 =	sld [smem:$0x3FB2]  }
0x2c: {  	s7 =	sld [smem:$0x3FB3]  }
0x2d: {  	s3 =	simm.s32 $0x108;
	s8 =	sld [smem:$0x3FB4]  }
0x2e: {  	s3 =	simm.s32 @!p0 $0x1082;
	s9 =	sld [smem:$0x3FB5]  }
0x2f: {  	lr =	sadd.s32 s0, s3;
	s0 =	sld [smem:$0x3FAC]  }
0x30: {  	s3 =	sld [smem:$0x3FAF]  }
0x31: {  	[smem:$0x3FB8] =	sst s10  }
0x32: {  	s10 =	sld [smem:$0x3FB6];
	_ =	sdelay $0x3  }
0x33: {  	p0 =	seq.s32 s10, $0x1;
	s10 =	sld [smem:$0x3FB8];
	_ =	sdelay $0x3  }
0x34: {  	[smem:$0x3FB8] =	sst s10  }
0x35: {  	s10 =	sld [smem:$0x3FB7];
	_ =	sdelay $0x3  }
0x36: {  	p1 =	seq.s32 s10, $0x1;
	s10 =	sld [smem:$0x3FB8];
	_ =	sdelay $0x3  }
0x37: {  	[smem:$0x3FB8] =	sst s10  }
0x38: {  	s10 =	sld [smem:$0x3FB9]  }
0x39: {  	_ = 	snop;
	(pc) =	sbr.ind lr, $3  }
0x3a: {  	_ = 	snop  }
0x3b: {  	_ = 	snop  }
0x3c: {  	p2 =	seq.s32 s10, $0x1;
	s10 =	sld [smem:$0x3FB8]  }
0x3d: {  	_ =	shalt  }
0x3e: {  	_ =	shalt  }
0x3f: {  	_ =	shalt  }
0x40: {  	_ =	shalt  }
0x41: {  	_ =	shalt  }
0x42: {  	_ =	shalt  }
0x43: {  	_ =	shalt  }
0x44: {  	_ =	shalt  }
0x45: {  	_ =	shalt  }
0x46: {  	_ =	shalt  }
0x47: {  	_ =	shalt  }
0x48: {  	_ =	shalt  }
0x49: {  	_ =	shalt  }
0x4a: {  	_ =	shalt  }
0x4b: {  	_ =	shalt  }
0x4c: {  	_ =	shalt  }
0x4d: {  	_ =	shalt  }
0x4e: {  	_ =	shalt  }
0x4f: {  	_ =	shalt  }
0x50: {  	_ =	shalt  }
0x51: {  	_ =	shalt  }
0x52: {  	_ =	shalt  }
0x53: {  	_ =	shalt  }
0x54: {  	_ =	shalt  }
0x55: {  	_ =	shalt  }
0x56: {  	_ =	shalt  }
0x57: {  	_ =	shalt  }
0x58: {  	_ =	shalt  }
0x59: {  	_ =	shalt  }
0x5a: {  	_ =	shalt  }
0x5b: {  	_ =	shalt  }
0x5c: {  	_ =	shalt  }
0x5d: {  	_ =	shalt  }
0x5e: {  	_ =	shalt  }
0x5f: {  	_ =	shalt  }
0x60: {  	_ =	shalt  }
0x61: {  	_ =	shalt  }
0x62: {  	_ =	shalt  }
0x63: {  	_ =	shalt  }
0x64: {  	_ =	shalt  }
0x65: {  	_ =	shalt  }
0x66: {  	_ =	shalt  }
0x67: {  	_ =	shalt  }
0x68: {  	_ =	shalt  }
0x69: {  	_ =	shalt  }
0x6a: {  	_ =	shalt  }
0x6b: {  	_ =	shalt  }
0x6c: {  	_ =	shalt  }
0x6d: {  	_ =	shalt  }
0x6e: {  	_ =	shalt  }
0x6f: {  	_ =	shalt  }
0x70: {  	_ =	shalt  }
0x71: {  	_ =	shalt  }
0x72: {  	_ =	shalt  }
0x73: {  	_ =	shalt  }
0x74: {  	_ =	shalt  }
0x75: {  	_ =	shalt  }
0x76: {  	_ =	shalt  }
0x77: {  	_ =	shalt  }
0x78: {  	_ =	shalt  }
0x79: {  	_ =	shalt  }
0x7a: {  	_ =	shalt  }
0x7b: {  	_ =	shalt  }
0x7c: {  	_ =	shalt  }
0x7d: {  	_ =	shalt  }
0x7e: {  	_ =	shalt  }
0x7f: {  	_ =	shalt  }
0x80: {  	_ =	shalt  }
0x81: {  	_ =	shalt  }
0x82: {  	_ =	shalt  }
0x83: {  	_ =	shalt  }
0x84: {  	_ =	shalt  }
0x85: {  	_ =	shalt  }
0x86: {  	_ =	shalt  }
0x87: {  	_ =	shalt  }
.Lfunc_end0:
.L_simem_size_0:
called_computation_lowered:
.L_overlay_start_0:
0x88: {  	s0 =	sld [smem:$0x3FD9]  }
0x89: {  	s1 =	sld [smem:$0x3FFE];
	_ =	sdelay $0x3  }
0x8a: {  	s0 =	sadd.s32 s1, s0  }
0x8b: {  	[smem:$0x3FC4] =	sst s0  }
0x8c: {  	_ = 	snop  }
0x8d: {  	s0 =	sld [smem:$0x3FD0];
	(tm) =	ssettm $0x1  }
0x8e: {  	s16 =	sld [smem:$0x3FFB];
	_ =	sdelay $0x3  }
0x8f: {  	_ =	strace s16  }
0x90: {  	s1 =	sld [smem:$0x3FFC];
	_ =	sdelay $0x3  }
0x91: {  	_ =	strace s1  }
0x92: {  	s1 =	sld [smem:$0x3FFD];
	_ =	sdelay $0x3  }
0x93: {  	_ =	strace s1  }
0x94: {  	_ =	strace $0x8FFFFFFF  }
0x95: {  	s17 =	sld [smem:$0x3FDB];
	_ =	sdelay $0x1  }
0x96: {  	s2 =	simm.s32 $_scs_section_size  }
0x97: {  	s3 =	simm.s32 $_size__tile_overlayer_lowered;
	s4 =	simm.s32 $_tile_overlayer_lowered  }
0x98: {  	s20 =	simm.s32 $0x1BFF;
	s19 =	sshll.u32 s4, $0x1;
	s1 =	sadd.s32 s2, s17  }
0x99: {  	s5 =	simm.s32 $0x0;
	s18 =	sshll.u32 s3, $0x1;
	s3 =	sadd.s32 s19, s1  }
0x9a: {  	[timem:s5], [sflag:s20] =	dma.local [hbm:s3], s18  }
0x9b: {  	_ =	swait.ge [sflag:s20], s18  }
0x9c: {  	s2 =	ssub.s32 $0x0, s18;
	[sflag:s20] =	ssyncset.done $0x0  }
0x9d: {  	[sflag:s20] =	ssyncadd.s32 s2;
	_ =	sdelay $0x1  }
0x9e: {  	s21 =	simm.s32 $0x1B8B  }
0x9f: {  	_ =	swait.ge [sflag:s21], $0x1  }
0xa0: {  	[sflag:s21] =	ssyncset.done $0x0  }
0xa1: {  	s23 =	simm.s32 $0x1B8E;
	s22 =	sld [smem:$0x3FFE];
	[sflag:s21] =	ssyncadd.s32 $0xFFFFFFFF  }
0xa2: {  	s24 =	simm.s32 $execute0_lowered;
	[smem:$0x3FD2] =	sst s23  }
0xa3: {  	s3 =	sshll.u32 s24, $0x1;
	_ =	strace $0x80000046;
	[dreg:$0x1] =	wrdreg $0xFFFFFFFF  }
0xa4: {  	s25 =	simm.s32 $_size_execute0_lowered;
	s1 =	sadd.s32 s1, s3;
	[dreg:$0x0] =	wrdreg $0x0  }
0xa5: {  	s3 =	sshll.u32 s25, $0x1;
	[dreg:$0x2] =	wrdreg s1  }
0xa6: {  	[dreg:$0x3] =	wrdreg s3  }
0xa7: {  	[dreg:$0x4] =	wrdreg $0xC0  }
0xa8: {  	_ =	task [dreg:s5], $0x5FFFF  }
0xa9: {  	[dreg:$0x1] =	wrdreg $0xFFFFFFFF  }
0xaa: {  	[dreg:$0x0] =	wrdreg $0x60  }
0xab: {  	[dreg:$0x2] =	wrdreg s22  }
0xac: {  	[dreg:$0x3] =	wrdreg s0  }
0xad: {  	[dreg:$0x4] =	wrdreg $0x9  }
0xae: {  	_ =	task.clear_ibuf [dreg:s5], $0x5FFFF;
	_ =	strace $0x90000046  }
0xaf: {  	s26 =	simm.s32 $0x9;
	_ =	strace $0x80000048  }
0xb0: {  	_ =	swait.ge [sflag:s26], $0x1  }
0xb1: {  	[sflag:s26] =	ssyncadd.s32 $0xFFFFFFFF  }
0xb2: {  	_ =	strace $0x90000048  }
0xb3: {  	_ =	sfence  }
0xb4: {  	s28 =	sld [smem:$0x0];
	_ =	sdelay $0x1  }
0xb5: {  	s29 =	srdreg.scid  }
0xb6: {  	s30 =	sshll.u32 s29, $0xD;
	s31 =	sshrl.u32 s29, $0x2  }
0xb7: {  	s2 =	sand.u32 $0x4000, s30;
	s1 =	sand.u32 $0x1, s29;
	s0 =	sadd.s32 s31, s28  }
0xb8: {  	s1 =	sor.u32 s2, s1;
	s0 =	sshll.u32 s0, $0x11  }
0xb9: {  	s0 =	sor.u32 s0, s1  }
0xba: {  	s0 =	sadd.s32 $0x8F2B, s0  }
0xbb: {  	[sflag:s0] =	ssyncadd.remote.s32 $0x1  }
0xbc: {  	_ =	sfence.sel $0xFFFF  }
0xbd: {  	[dreg:$0x0] =	wrdreg $0xFFFFFFFF;
	(pc) =	sbr.abs _section_cstart, $3  }
0xbe: {  	[dreg:$0x1] =	wrdreg $0xFFFFFFFF  }
0xbf: {  	_ =	task.clear_ibuf [dreg:s5], $0x2FFFF;
	_ =	strace $0x9FFFFFFF  }
0xc0: {  	(tm) =	ssettm $0x7FFFFFFF  }
0xc1: {  	_ =	shalt  }
tec
execute0_lowered:
.L_overlay_start_1:
0x0: {  	(tag) =	ssettag $0x1  }
0x1: {  	s4 =	rddreg [dreg:$0x0]  }
0x2: {  	s2 =	rddreg [dreg:$0x1]  }
0x3: {  	s0 =	rddreg [dreg:$0x2];
	s3 =	simm.s32 $0x0;
	s1 =	stileid.u32  }
0x4: {  	[smem:$0x7FF] =	sst s3;
	s5 =	sshll.u32 s1, $0xA  }
0x5: {  	s6 =	sadd.s32 $0x4A00, s4;
	_ =	strace $0x80000047;
	s4 =	sadd.s32 s5, s4  }
0x6: {  	[tilespmem:s3], [sflag:$0x1] =	stream.linear.gather [hbm4b:s6+s3], $0x9C80, $0x38;
	[tilespmem:$0xC000] =	vst v63  }
0x7: {  	s29 =	simm.s32 $0x9C80;
	s30 =	simm.s32 $0x2;
	s4 =	sadd.s32 $0xA00, s4  }
0x8: {  	[tilespmem:s29], [sflag:$0x2] =	stream.linear.gather [hbm4b:s4+s3], $0x2000, $0x38;
	[tilespmem:$0xC000] =	vst v63  }
0x9: {  	_ =	swait.ge [sflag:s30], $0x2000  }
0xa: {  	[sflag:s30] =	ssyncset.done $0x0  }
0xb: {  	s31 =	simm.s32 $0x1;
	[sflag:s30] =	ssyncadd.s32 $0xFFFFE000  }
0xc: {  	_ =	swait.ge [sflag:s31], $0x9C80  }
0xd: {  	[sflag:s31] =	ssyncset.done $0x0  }
0xe: {  	s4 =	simm.s32 $0x9D00;
	[sflag:s31] =	ssyncadd.s32 $0xFFFF6380  }
0xf: {  	v1 =	vld [tilespmem:s4+$0x30]  }
0x10: {  	v0 =	vld [tilespmem:s4+$0x40]  }
0x11: {  	v2 =	vld [tilespmem:s4+$0xFFFFFF90]  }
0x12: {  	v3 =	vld [tilespmem:s4+$0xFFFFFFE0]  }
0x13: {  	v4 =	vld [tilespmem:s4+$0xFFFFFFC0]  }
0x14: {  	v5 =	vld [tilespmem:s4+$0x20]  }
0x15: {  	v6 =	vld [tilespmem:s4+$0xFFFFFF80]  }
0x16: {  	v7 =	vld [tilespmem:s4+$0x50]  }
0x17: {  	v8 =	vld [tilespmem:s4+$0x10]  }
0x18: {  	v10 =	vld [tilespmem:s4+$0x0]  }
0x19: {  	v11 =	vld [tilespmem:s4+$0xFFFFFFD0]  }
0x1a: {  	v13 =	vld [tilespmem:s4+$0x60]  }
0x1b: {  	v15 =	vld [tilespmem:s4+$0xFFFFFFA0]  }
0x1c: {  	v32 =	vld [tilespmem:s4+$0xFFFFFFB0]  }
0x1d: {  	v36 =	vld [tilespmem:s4+$0x70]  }
0x1e: {  	v12 =	vadd.s32 $0x2710, v4;
	v4 =	vld.idx.msk [tilespmem:v4+s3+$0x0], $0xffff  }
0x1f: {  	v9 =	vadd.s32 $0x2710, v3;
	v18 =	vld.idx.msk [tilespmem:v0+s3+$0x0], $0xffff  }
0x20: {  	v22 =	vld.idx.msk [tilespmem:v7+s3+$0x0], $0xffff  }
0x21: {  	v14 =	vadd.s32 $0x4E20, v2;
	v25 =	vadd.s32 $0x2710, v11;
	v11 =	vld.idx.msk [tilespmem:v11+s3+$0x0], $0xffff  }
0x22: {  	v16 =	vadd.s32 $0x2710, v0;
	v21 =	vadd.s32 $0x2710, v13;
	v13 =	vld.idx.msk [tilespmem:v13+s3+$0x0], $0xffff  }
0x23: {  	v17 =	vadd.s32 $0x7530, v6;
	v3 =	vld.idx.msk [tilespmem:v3+s3+$0x0], $0xffff  }
0x24: {  	v19 =	vadd.s32 $0x7530, v15;
	v9 =	vld.idx.msk [tilespmem:v9+s3+$0x0], $0xffff  }
0x25: {  	v20 =	vadd.s32 $0x4E20, v10;
	v12 =	vld.idx.msk [tilespmem:v12+s3+$0x0], $0xffff  }
0x26: {  	v14 =	vld.idx.msk [tilespmem:v14+s3+$0x0], $0xffff  }
0x27: {  	v24 =	vadd.s32 $0x4E20, v8;
	v16 =	vld.idx.msk [tilespmem:v16+s3+$0x0], $0xffff  }
0x28: {  	v10 =	vadd.s32 $0x7530, v10;
	v17 =	vld.idx.msk [tilespmem:v17+s3+$0x0], $0xffff  }
0x29: {  	v2 =	vadd.s32 $0x7530, v2;
	v19 =	vld.idx.msk [tilespmem:v19+s3+$0x0], $0xffff  }
0x2a: {  	v6 =	vadd.s32 $0x4E20, v6;
	v20 =	vld.idx.msk [tilespmem:v20+s3+$0x0], $0xffff  }
0x2b: {  	v15 =	vadd.s32 $0x4E20, v15;
	v21 =	vld.idx.msk [tilespmem:v21+s3+$0x0], $0xffff  }
0x2c: {  	v40 =	vadd.s32 $0x7530, v32;
	v24 =	vld.idx.msk [tilespmem:v24+s3+$0x0], $0xffff  }
0x2d: {  	v8 =	vadd.s32 $0x7530, v8;
	v39 =	vadd.s32 $0x2710, v36;
	v10 =	vld.idx.msk [tilespmem:v10+s3+$0x0], $0xffff  }
0x2e: {  	v0 =	vadd.s32 $0x7530, v5;
	v2 =	vld.idx.msk [tilespmem:v2+s3+$0x0], $0xffff;
	v26 =	vadd.bf16 v17, v12;
	v27 =	vadd.bf16 v14, v22  }
0x2f: {  	v45 =	vadd.s32 $0x7530, v1;
	v6 =	vld.idx.msk [tilespmem:v6+s3+$0x0], $0xffff;
	v29 =	vadd.bf16 v19, v9;
	v63 =	vadd.bf16 v20, v4  }
0x30: {  	v7 =	vadd.s32 $0x2710, v7;
	v15 =	vld.idx.msk [tilespmem:v15+s3+$0x0], $0xffff;
	v20 =	vadd.bf16 v20, v18;
	v19 =	vadd.bf16 v19, v21  }
0x31: {  	v1 =	vadd.s32 $0x4E20, v1;
	v50 =	vld.idx.msk [tilespmem:v40+s3+$0x0], $0xffff;
	v14 =	vadd.bf16 v14, v11;
	v11 =	vadd.bf16 v24, v11  }
0x32: {  	v5 =	vadd.s32 $0x4E20, v5;
	v51 =	vld.idx.msk [tilespmem:v39+s3+$0x0], $0xffff;
	v22 =	vadd.bf16 v24, v22;
	v12 =	vadd.bf16 v10, v12  }
0x33: {  	v23 =	vld.idx.msk [tilespmem:v0+s3+$0x0], $0xffff;
	v0 =	vimm.bf16 $2.0020e-01;
	v10 =	vadd.bf16 v10, v16;
	v16 =	vadd.bf16 v17, v16  }
0x34: {  	v25 =	vld.idx.msk [tilespmem:v25+s3+$0x0], $0xffff;
	v4 =	vadd.bf16 v6, v4;
	v28 =	vmul.bf16 v0, v26;
	v30 =	vmul.bf16 v0, v27  }
0x35: {  	v7 =	vld.idx.msk [tilespmem:v7+s3+$0x0], $0xffff;
	v6 =	vadd.bf16 v6, v18;
	v31 =	vmul.bf16 v0, v29;
	v33 =	vmul.bf16 v0, v63  }
0x36: {  	v8 =	vld.idx.msk [tilespmem:v8+s3+$0x0], $0xffff;
	v52 =	vadd.bf16 v15, v13;
	v35 =	vmul.bf16 v0, v20;
	v44 =	vmul.bf16 v0, v19  }
0x37: {  	v5 =	vld.idx.msk [tilespmem:v5+s3+$0x0], $0xffff;
	v15 =	vadd.bf16 v15, v3;
	v46 =	vmul.bf16 v0, v11;
	v38 =	vmul.bf16 v0, v12  }
0x38: {  	v59 =	vadd.bf16 v50, v51;
	v18 =	vmul.bf16 v0, v10;
	v47 =	vmul.bf16 v0, v16  }
0x39: {  	v54 =	vmul.bf16 v0, v52;
	v58 =	vmul.bf16 v0, v15;
	v21 =	vadd.bf16 v23, v21  }
0x3a: {  	v37 =	vld [tilespmem:s4+$0xFFFFFFF0];
	v60 =	vmul.bf16 v0, v59;
	v34 =	vadd.bf16 v2, v7;
	v9 =	vadd.bf16 v23, v9  }
0x3b: {  	v23 =	vmul.bf16 v0, v22;
	v2 =	vadd.bf16 v2, v25;
	v25 =	vadd.bf16 v8, v25  }
0x3c: {  	v7 =	vadd.bf16 v8, v7;
	v8 =	vmul.bf16 v0, v4;
	v3 =	vadd.bf16 v5, v3  }
0x3d: {  	v5 =	vadd.bf16 v5, v13;
	v26 =	vmax.bf16 v26, v28;
	v29 =	vmax.bf16 v29, v31  }
0x3e: {  	v20 =	vmax.bf16 v20, v35;
	v12 =	vmax.bf16 v12, v38;
	v17 =	vmax.bf16 v19, v44  }
0x3f: {  	v19 =	vadd.s32 $0x2710, v37;
	v28 =	vmax.bf16 v63, v33;
	v10 =	vmax.bf16 v10, v18  }
0x40: {  	v11 =	vmax.bf16 v11, v46;
	v48 =	vmul.bf16 v0, v7;
	v49 =	vmul.bf16 v0, v2  }
0x41: {  	v4 =	vmax.bf16 v4, v8;
	v8 =	vmax.bf16 v16, v47;
	v16 =	vmul.bf16 v0, v6  }
0x42: {  	v15 =	vmax.bf16 v15, v58;
	v53 =	vmul.bf16 v0, v34;
	v18 =	vmul.bf16 v0, v25  }
0x43: {  	v22 =	vmax.bf16 v22, v23;
	v55 =	vmul.bf16 v0, v9;
	v61 =	vmul.bf16 v0, v3  }
0x44: {  	v1 =	vld.idx.msk [tilespmem:v1+s3+$0x0], $0xffff;
	v11 =	vadd.bf16 v11, v28;
	v20 =	vadd.bf16 v22, v20;
	v22 =	vadd.s32 $0x4E20, v32  }
0x45: {  	v23 =	vld.idx.msk [tilespmem:v37+s3+$0x0], $0xffff;
	v7 =	vmax.bf16 v7, v48;
	v2 =	vmax.bf16 v2, v49;
	v6 =	vmax.bf16 v6, v16  }
0x46: {  	v57 =	vld.idx.msk [tilespmem:v36+s3+$0x0], $0xffff;
	v16 =	vmul.bf16 v0, v14;
	v32 =	vmax.bf16 v34, v53;
	v18 =	vmax.bf16 v25, v18  }
0x47: {  	v24 =	vld.idx.msk [tilespmem:v45+s3+$0x0], $0xffff;
	v9 =	vmax.bf16 v9, v55;
	v3 =	vmax.bf16 v3, v61;
	v2 =	vadd.bf16 v2, v26  }
0x48: {  	v26 =	vmax.bf16 v52, v54;
	v8 =	vadd.bf16 v32, v8;
	v12 =	vadd.bf16 v18, v12  }
0x49: {  	v18 =	vmul.bf16 v0, v5;
	v3 =	vadd.bf16 v3, v11;
	v7 =	vadd.bf16 v7, v10  }
0x4a: {  	v19 =	vld.idx.msk [tilespmem:v19+s3+$0x0], $0xffff;
	v14 =	vmax.bf16 v14, v16;
	v16 =	vmax.bf16 v59, v60;
	v56 =	vadd.bf16 v1, v23  }
0x4b: {  	v1 =	vadd.bf16 v1, v57;
	v5 =	vmax.bf16 v5, v18;
	v9 =	vadd.bf16 v9, v12  }
0x4c: {  	v18 =	vadd.bf16 v24, v51;
	v8 =	vadd.bf16 v17, v8;
	v13 =	vmul.bf16 v0, v56  }
0x4d: {  	v2 =	vadd.bf16 v29, v2;
	v5 =	vadd.bf16 v5, v20;
	v12 =	vmul.bf16 v0, v1  }
0x4e: {  	v8 =	vadd.bf16 v16, v8;
	v11 =	vmax.bf16 v56, v13;
	v13 =	vmul.bf16 v0, v21  }
0x4f: {  	v24 =	vadd.bf16 v24, v19;
	v19 =	vadd.bf16 v50, v19;
	v1 =	vmax.bf16 v1, v12  }
0x50: {  	v10 =	vshll.u32 v8, $0x10;
	v3 =	vadd.bf16 v11, v3;
	v11 =	vmax.bf16 v27, v30  }
0x51: {  	v1 =	vadd.bf16 v1, v5;
	v5 =	vld.idx.msk [tilespmem:v22+s3+$0x0], $0xffff;
	[tilespmem:$0xBD20] =	vst v10;
	v10 =	vmul.bf16 v0, v18  }
0x52: {  	v13 =	vmax.bf16 v21, v13;
	v17 =	vmul.bf16 v0, v24;
	v20 =	vmul.bf16 v0, v19  }
0x53: {  	v6 =	vadd.bf16 v11, v6;
	v12 =	vshll.u32 v3, $0x10;
	v3 =	vand.u32 $0xFFFF0000, v3  }
0x54: {  	v16 =	vshll.u32 v1, $0x10;
	v1 =	vand.u32 $0xFFFF0000, v1;
	v7 =	vadd.bf16 v13, v7;
	[tilespmem:$0xBCC0] =	vst v12  }
0x55: {  	v12 =	vmax.bf16 v19, v20;
	[tilespmem:$0xBCD0] =	vst v3;
	v3 =	vadd.bf16 v14, v4;
	v4 =	vmax.bf16 v24, v17  }
0x56: {  	[tilespmem:$0xBD50] =	vst v1;
	v1 =	vand.u32 $0xFFFF0000, v8;
	v2 =	vadd.bf16 v12, v2;
	v8 =	vadd.bf16 v5, v23  }
0x57: {  	v10 =	vmax.bf16 v18, v10;
	[tilespmem:$0xBD40] =	vst v16;
	v4 =	vadd.bf16 v4, v9;
	v5 =	vadd.bf16 v5, v57  }
0x58: {  	v6 =	vadd.bf16 v26, v6;
	[tilespmem:$0xBD30] =	vst v1;
	v9 =	vshll.u32 v2, $0x10;
	v12 =	vmul.bf16 v0, v8  }
0x59: {  	v3 =	vadd.bf16 v15, v3;
	v1 =	vshll.u32 v4, $0x10;
	[tilespmem:$0xBCA0] =	vst v9;
	v9 =	vmul.bf16 v0, v5  }
0x5a: {  	v7 =	vadd.bf16 v10, v7;
	v4 =	vand.u32 $0xFFFF0000, v4;
	[tilespmem:$0xBCE0] =	vst v1;
	v1 =	vmax.bf16 v8, v12  }
0x5b: {  	v2 =	vand.u32 $0xFFFF0000, v2;
	[tilespmem:$0xBCF0] =	vst v4;
	v3 =	vadd.bf16 v1, v3;
	v1 =	vmax.bf16 v5, v9  }
0x5c: {  	v4 =	vlaneseq.u32;
	[tilespmem:$0xBCB0] =	vst v2;
	v2 =	vshll.u32 v7, $0x10;
	v5 =	vadd.bf16 v1, v6  }
0x5d: {  	[tilespmem:$0xBD60] =	vst v2;
	v1 =	vmul.u32 $0x10, v4;
	v4 =	vshll.u32 v3, $0x10  }
0x5e: {  	[tilespmem:$0xBC80] =	vst v4;
	v4 =	vshll.u32 v5, $0x10  }
0x5f: {  	v2 =	vor.u32 $0x1, v1;
	v5 =	vand.u32 $0xFFFF0000, v5;
	[tilespmem:$0xBD00] =	vst v4  }
0x60: {  	v4 =	vand.u32 $0xFFFF0000, v3;
	[tilespmem:$0xBD10] =	vst v5  }
0x61: {  	v3 =	vor.u32 $0x2, v1;
	v5 =	vand.u32 $0xFFFF0000, v7;
	[tilespmem:$0xBC90] =	vst v4  }
0x62: {  	s5 =	simm.s32 $0xBC80;
	[tilespmem:$0xBD70] =	vst v5  }
0x63: {  	v4 =	vor.u32 $0x3, v1;
	v8 =	vld.idx.msk [tilespmem:v1+s5+$0x0], $0xffff  }
0x64: {  	v9 =	vld.idx.msk [tilespmem:v2+s5+$0x0], $0xffff  }
0x65: {  	v5 =	vor.u32 $0x4, v1  }
0x66: {  	v10 =	vld.idx.msk [tilespmem:v3+s5+$0x0], $0xffff  }
0x67: {  	v6 =	vor.u32 $0x5, v1  }
0x68: {  	v11 =	vld.idx.msk [tilespmem:v4+s5+$0x0], $0xffff  }
0x69: {  	v7 =	vor.u32 $0x6, v1;
	v9 =	vadd.f32 v9, v8  }
0x6a: {  	v12 =	vld.idx.msk [tilespmem:v5+s5+$0x0], $0xffff  }
0x6b: {  	v8 =	vor.u32 $0x7, v1;
	v10 =	vadd.f32 v10, v9  }
0x6c: {  	v13 =	vld.idx.msk [tilespmem:v6+s5+$0x0], $0xffff  }
0x6d: {  	v9 =	vor.u32 $0x8, v1;
	v11 =	vadd.f32 v11, v10  }
0x6e: {  	v15 =	vld.idx.msk [tilespmem:v7+s5+$0x0], $0xffff  }
0x6f: {  	v10 =	vor.u32 $0x9, v1;
	v12 =	vadd.f32 v12, v11  }
0x70: {  	v16 =	vld.idx.msk [tilespmem:v8+s5+$0x0], $0xffff  }
0x71: {  	v19 =	vimm.s32 $0xBA98FEDC;
	v11 =	vor.u32 $0xA, v1;
	v17 =	vadd.f32 v13, v12  }
0x72: {  	v20 =	vimm.s32 $0x32107654;
	v19 =	vunpack.c.l.s4.s8 v19;
	v14 =	vor.u32 $0xD, v1;
	v18 =	vld.idx.msk [tilespmem:v9+s5+$0x0], $0xffff  }
0x73: {  	v20 =	vunpack.c.l.s4.s8 v20;
	v12 =	vor.u32 $0xB, v1;
	v17 =	vadd.f32 v15, v17  }
0x74: {  	v19 =	vunpack.c.0.s8.s32 v19;
	v13 =	vor.u32 $0xC, v1;
	v22 =	vld.idx.msk [tilespmem:v10+s5+$0x0], $0xffff  }
0x75: {  	v20 =	vunpack.c.0.s8.s32 v20;
	v15 =	vor.u32 $0xE, v1;
	v16 =	vadd.f32 v16, v17  }
0x76: {  	v23 =	vld.idx.msk [tilespmem:v11+s5+$0x0], $0xffff;
	v17 =	vor.u32 $0xF, v1  }
0x77: {  	v62 =	vcombine.low v20, v19;
	v19 =	vld.idx.msk [tilespmem:v14+s5+$0x0], $0xffff;
	v16 =	vadd.f32 v18, v16  }
0x78: {  	v21 =	vld.idx.msk [tilespmem:v12+s5+$0x0], $0xffff  }
0x79: {  	v18 =	vld.idx.msk [tilespmem:v13+s5+$0x0], $0xffff;
	v63 =	vadd.f32 v22, v16  }
0x7a: {  	v20 =	vld.idx.msk [tilespmem:v15+s5+$0x0], $0xffff  }
0x7b: {  	s7 =	simm.s32 $0xBD80;
	s8 =	simm.s32 $0x40;
	s6 =	simm.s32 $0x0;
	v16 =	vand.u32 $0xF, v62;
	v22 =	vld.idx.msk [tilespmem:v17+s5+$0x0], $0xffff;
	v23 =	vadd.f32 v23, v63  }
.LBB2_1:
0x7c: {  	p0 =	sne.s32 s8, $0x7C0  }
0x7d: {  	s4 =	sadd.s32 $0x100, s4;
	s9 =	smov.u32 s8;
	s8 =	sadd.s32 $0x40, s8;
	v21 =	vadd.f32 v21, v23  }
0x7e: {  	_ = 	snop  }
0x7f: {  	v18 =	vadd.f32 v18, v21;
	_ =	sdelay $0x1  }
0x80: {  	v18 =	vadd.f32 v19, v18;
	_ =	sdelay $0x1  }
0x81: {  	v18 =	vadd.f32 v20, v18;
	_ =	sdelay $0x1  }
0x82: {  	v18 =	vadd.f32 v22, v18;
	_ =	sdelay $0x1  }
0x83: {  	v18 =	vmul.f32 $1.562500000e-02, v18;
	_ =	sdelay $0x1  }
0x84: {  	v18 =	vmul.f32 $1.442695020e+00, v18;
	_ =	sdelay $0x1  }
0x85: {  	(erf) = vpow2.f32 v18;
	_ =	sdelay $0x8  }
0x86: {  	v18 =	vpop (erf)  }
0x87: {  	[tilespmem:$0xBD80] =	vst v18  }
0x88: {  	v19 =	vld.idx.msk [tilespmem:v16+s7+$0x0], $0xffff;
	_ =	sdelay $0x5  }
0x89: {  	v19 =	vadd.f32 v18, v19;
	_ =	sdelay $0x1  }
0x8a: {  	(erf) = vrcp.f32 v19;
	_ =	sdelay $0x8  }
0x8b: {  	v19 =	vpop (erf)  }
0x8c: {  	v18 =	vmul.f32 v19, v18  }
0x8d: {  	s10 =	sshra.s32 s6, $0x2;
	s6 =	smov.u32 s9  }
0x8e: {  	[tilespmem:s10+$0xBE00] =	vst v18  }
0x8f: {  	v23 =	vld [tilespmem:s4+$0x30]  }
0x90: {  	v18 =	vld [tilespmem:s4+$0x40]  }
0x91: {  	v19 =	vld [tilespmem:s4+$0xFFFFFF90]  }
0x92: {  	v21 =	vld [tilespmem:s4+$0xFFFFFFE0]  }
0x93: {  	v20 =	vld [tilespmem:s4+$0xFFFFFFC0]  }
0x94: {  	v22 =	vld [tilespmem:s4+$0x20]  }
0x95: {  	v24 =	vld [tilespmem:s4+$0xFFFFFF80]  }
0x96: {  	v25 =	vld [tilespmem:s4+$0x50]  }
0x97: {  	v26 =	vld [tilespmem:s4+$0x10];
	v27 =	vadd.s32 $0x2710, v21  }
0x98: {  	v30 =	vadd.s32 $0x4E20, v19;
	v19 =	vadd.s32 $0x7530, v19;
	v28 =	vld [tilespmem:s4+$0x0];
	v29 =	vadd.s32 $0x2710, v20  }
0x99: {  	v32 =	vadd.s32 $0x2710, v18;
	v31 =	vld [tilespmem:s4+$0xFFFFFFD0]  }
0x9a: {  	v33 =	vld [tilespmem:s4+$0x60];
	v34 =	vadd.s32 $0x4E20, v24;
	v24 =	vadd.s32 $0x7530, v24  }
0x9b: {  	v35 =	vld [tilespmem:s4+$0xFFFFFFA0];
	v36 =	vadd.s32 $0x2710, v25  }
0x9c: {  	v37 =	vld.idx.msk [tilespmem:v20+s3+$0x0], $0xffff;
	v20 =	vadd.s32 $0x4E20, v26;
	v26 =	vadd.s32 $0x7530, v26  }
0x9d: {  	v38 =	vadd.s32 $0x4E20, v28;
	v28 =	vadd.s32 $0x7530, v28;
	v27 =	vld.idx.msk [tilespmem:v27+s3+$0x0], $0xffff  }
0x9e: {  	v39 =	vld.idx.msk [tilespmem:v18+s3+$0x0], $0xffff;
	v40 =	vadd.s32 $0x2710, v31  }
0x9f: {  	v41 =	vadd.s32 $0x4E20, v22;
	v18 =	vadd.s32 $0x7530, v22;
	v29 =	vld.idx.msk [tilespmem:v29+s3+$0x0], $0xffff  }
0xa0: {  	v22 =	vadd.s32 $0x2710, v33;
	v30 =	vld.idx.msk [tilespmem:v30+s3+$0x0], $0xffff;
	v42 =	vadd.s32 $0x7530, v35  }
0xa1: {  	v32 =	vld.idx.msk [tilespmem:v32+s3+$0x0], $0xffff  }
0xa2: {  	v24 =	vld.idx.msk [tilespmem:v24+s3+$0x0], $0xffff  }
0xa3: {  	v25 =	vld.idx.msk [tilespmem:v25+s3+$0x0], $0xffff  }
0xa4: {  	v43 =	vld.idx.msk [tilespmem:v18+s3+$0x0], $0xffff  }
0xa5: {  	v42 =	vld.idx.msk [tilespmem:v42+s3+$0x0], $0xffff  }
0xa6: {  	v44 =	vld.idx.msk [tilespmem:v19+s3+$0x0], $0xffff  }
0xa7: {  	v38 =	vld.idx.msk [tilespmem:v38+s3+$0x0], $0xffff  }
0xa8: {  	v45 =	vadd.bf16 v24, v29;
	v22 =	vld.idx.msk [tilespmem:v22+s3+$0x0], $0xffff  }
0xa9: {  	v18 =	vadd.bf16 v30, v25;
	v36 =	vld.idx.msk [tilespmem:v36+s3+$0x0], $0xffff  }
0xaa: {  	v46 =	vmul.bf16 v0, v45;
	v31 =	vld.idx.msk [tilespmem:v31+s3+$0x0], $0xffff  }
0xab: {  	v19 =	vmul.bf16 v0, v18;
	v47 =	vld.idx.msk [tilespmem:v20+s3+$0x0], $0xffff;
	v20 =	vadd.bf16 v42, v27  }
0xac: {  	v45 =	vmax.bf16 v45, v46;
	v28 =	vld.idx.msk [tilespmem:v28+s3+$0x0], $0xffff  }
0xad: {  	v48 =	vadd.bf16 v38, v37;
	v38 =	vadd.bf16 v38, v39;
	v40 =	vld.idx.msk [tilespmem:v40+s3+$0x0], $0xffff;
	v46 =	vmul.bf16 v0, v20  }
0xae: {  	v35 =	vadd.s32 $0x4E20, v35;
	v42 =	vadd.bf16 v42, v22;
	v22 =	vadd.bf16 v43, v22;
	v49 =	vld [tilespmem:s4+$0xFFFFFFB0]  }
0xaf: {  	v51 =	vmul.bf16 v0, v48;
	v52 =	vadd.bf16 v44, v36;
	v53 =	vmul.bf16 v0, v38;
	v50 =	vld [tilespmem:s4+$0xFFFFFFF0]  }
0xb0: {  	v30 =	vadd.bf16 v30, v31;
	v20 =	vmax.bf16 v20, v46;
	v46 =	vmul.bf16 v0, v42;
	v54 =	vld [tilespmem:s4+$0x70]  }
0xb1: {  	v31 =	vadd.bf16 v47, v31;
	v38 =	vmax.bf16 v38, v53;
	v25 =	vadd.bf16 v47, v25;
	v34 =	vld.idx.msk [tilespmem:v34+s3+$0x0], $0xffff  }
0xb2: {  	v47 =	vadd.s32 $0x7530, v23;
	v29 =	vadd.bf16 v28, v29;
	v28 =	vadd.bf16 v28, v32;
	v26 =	vld.idx.msk [tilespmem:v26+s3+$0x0], $0xffff  }
0xb3: {  	v27 =	vadd.bf16 v43, v27;
	v53 =	vmul.bf16 v0, v31;
	v43 =	vmul.bf16 v0, v25  }
0xb4: {  	v23 =	vadd.s32 $0x4E20, v23;
	v44 =	vadd.bf16 v44, v40;
	v55 =	vmul.bf16 v0, v29  }
0xb5: {  	v57 =	vadd.s32 $0x7530, v49;
	v25 =	vmax.bf16 v25, v43;
	v35 =	vld.idx.msk [tilespmem:v35+s3+$0x0], $0xffff;
	v56 =	vadd.s32 $0x2710, v54  }
0xb6: {  	v24 =	vadd.bf16 v24, v32;
	v32 =	vmax.bf16 v42, v46;
	v29 =	vmax.bf16 v29, v55;
	v33 =	vld.idx.msk [tilespmem:v33+s3+$0x0], $0xffff  }
0xb7: {  	v37 =	vadd.bf16 v34, v37;
	v34 =	vadd.bf16 v34, v39;
	v39 =	vmul.bf16 v0, v28;
	v42 =	vld.idx.msk [tilespmem:v50+s3+$0x0], $0xffff  }
0xb8: {  	v43 =	vadd.s32 $0x2710, v50;
	v40 =	vadd.bf16 v26, v40;
	v26 =	vadd.bf16 v26, v36;
	v21 =	vld.idx.msk [tilespmem:v21+s3+$0x0], $0xffff  }
0xb9: {  	v46 =	vmul.bf16 v0, v24;
	v25 =	vadd.bf16 v25, v38;
	v36 =	vmul.bf16 v0, v37;
	v23 =	vld.idx.msk [tilespmem:v23+s3+$0x0], $0xffff  }
0xba: {  	v48 =	vmax.bf16 v48, v51;
	v38 =	vadd.s32 $0x4E20, v49;
	v50 =	vmul.bf16 v0, v26;
	v49 =	vld.idx.msk [tilespmem:v57+s3+$0x0], $0xffff  }
0xbb: {  	v24 =	vmax.bf16 v24, v46;
	v36 =	vmax.bf16 v37, v36;
	v37 =	vmul.bf16 v0, v44  }
0xbc: {  	v51 =	vmul.bf16 v0, v34;
	v55 =	vadd.bf16 v35, v33;
	v26 =	vmax.bf16 v26, v50;
	v46 =	vld.idx.msk [tilespmem:v56+s3+$0x0], $0xffff  }
0xbd: {  	v28 =	vmax.bf16 v28, v39;
	v37 =	vmax.bf16 v44, v37;
	v44 =	vmul.bf16 v0, v52;
	v41 =	vld.idx.msk [tilespmem:v41+s3+$0x0], $0xffff  }
0xbe: {  	v39 =	vmul.bf16 v0, v40;
	v34 =	vmax.bf16 v34, v51;
	v37 =	vadd.bf16 v37, v45  }
0xbf: {  	v45 =	vmul.bf16 v0, v30;
	v50 =	vmul.bf16 v0, v55;
	v44 =	vmax.bf16 v52, v44  }
0xc0: {  	v39 =	vmax.bf16 v40, v39;
	v40 =	vmul.bf16 v0, v27;
	v35 =	vadd.bf16 v35, v21;
	v51 =	vld.idx.msk [tilespmem:v54+s3+$0x0], $0xffff  }
0xc1: {  	v52 =	vadd.bf16 v23, v42;
	v50 =	vmax.bf16 v55, v50;
	v24 =	vadd.bf16 v44, v24  }
0xc2: {  	v27 =	vmax.bf16 v27, v40;
	v40 =	vadd.bf16 v49, v46;
	v44 =	vld.idx.msk [tilespmem:v47+s3+$0x0], $0xffff;
	v47 =	vmul.bf16 v0, v35  }
0xc3: {  	v31 =	vmax.bf16 v31, v53;
	v21 =	vadd.bf16 v41, v21;
	v33 =	vadd.bf16 v41, v33;
	v43 =	vld.idx.msk [tilespmem:v43+s3+$0x0], $0xffff  }
0xc4: {  	v41 =	vmul.bf16 v0, v52;
	v35 =	vmax.bf16 v35, v47;
	v47 =	vmul.bf16 v0, v40  }
0xc5: {  	v29 =	vadd.bf16 v39, v29;
	v53 =	vmul.bf16 v0, v21;
	v39 =	vmul.bf16 v0, v33  }
0xc6: {  	v31 =	vadd.bf16 v31, v48;
	v30 =	vmax.bf16 v30, v45;
	v23 =	vadd.bf16 v23, v51  }
0xc7: {  	v21 =	vmax.bf16 v21, v53;
	v40 =	vmax.bf16 v40, v47;
	v33 =	vmax.bf16 v33, v39  }
0xc8: {  	v27 =	vadd.bf16 v27, v29;
	v21 =	vadd.bf16 v21, v31;
	v31 =	vmax.bf16 v52, v41  }
0xc9: {  	v39 =	vmul.bf16 v0, v22;
	v29 =	vmul.bf16 v0, v23;
	v41 =	vadd.bf16 v44, v46  }
0xca: {  	v18 =	vmax.bf16 v18, v19;
	v21 =	vadd.bf16 v31, v21  }
0xcb: {  	v25 =	vadd.bf16 v33, v25;
	v19 =	vadd.bf16 v44, v43;
	v22 =	vmax.bf16 v22, v39  }
0xcc: {  	v24 =	vadd.bf16 v32, v24;
	v31 =	vadd.bf16 v49, v43;
	v23 =	vmax.bf16 v23, v29  }
0xcd: {  	v33 =	vmul.bf16 v0, v19;
	v23 =	vadd.bf16 v23, v25;
	v32 =	vshll.u32 v21, $0x10;
	v29 =	vld.idx.msk [tilespmem:v38+s3+$0x0], $0xffff  }
0xce: {  	v24 =	vadd.bf16 v40, v24;
	v25 =	vmul.bf16 v0, v31;
	v21 =	vand.u32 $0xFFFF0000, v21;
	[tilespmem:$0xBCC0] =	vst v32  }
0xcf: {  	v20 =	vadd.bf16 v20, v37;
	[tilespmem:$0xBCD0] =	vst v21;
	v21 =	vshll.u32 v23, $0x10;
	v23 =	vand.u32 $0xFFFF0000, v23  }
0xd0: {  	v30 =	vadd.bf16 v30, v36;
	v25 =	vmax.bf16 v31, v25;
	[tilespmem:$0xBD40] =	vst v21;
	v21 =	vadd.bf16 v26, v28  }
0xd1: {  	v19 =	vmax.bf16 v19, v33;
	v20 =	vadd.bf16 v25, v20;
	v25 =	vshll.u32 v24, $0x10;
	[tilespmem:$0xBD50] =	vst v23  }
0xd2: {  	v19 =	vadd.bf16 v19, v27;
	v23 =	vand.u32 $0xFFFF0000, v24;
	[tilespmem:$0xBD20] =	vst v25;
	v21 =	vadd.bf16 v22, v21  }
0xd3: {  	v22 =	vadd.bf16 v35, v30;
	v24 =	vadd.bf16 v29, v42;
	v25 =	vshll.u32 v20, $0x10;
	[tilespmem:$0xBD30] =	vst v23  }
0xd4: {  	v26 =	vmul.bf16 v0, v41;
	v23 =	vshll.u32 v19, $0x10;
	[tilespmem:$0xBCA0] =	vst v25;
	v25 =	vadd.bf16 v29, v51  }
0xd5: {  	v18 =	vadd.bf16 v18, v34;
	v19 =	vand.u32 $0xFFFF0000, v19;
	v27 =	vmul.bf16 v0, v24;
	[tilespmem:$0xBCE0] =	vst v23  }
0xd6: {  	v20 =	vand.u32 $0xFFFF0000, v20;
	v23 =	vmax.bf16 v41, v26;
	[tilespmem:$0xBCF0] =	vst v19;
	v19 =	vmul.bf16 v0, v25  }
0xd7: {  	v18 =	vadd.bf16 v50, v18;
	v24 =	vmax.bf16 v24, v27;
	[tilespmem:$0xBCB0] =	vst v20;
	v20 =	vadd.bf16 v23, v21  }
0xd8: {  	v21 =	vadd.bf16 v24, v22;
	v19 =	vmax.bf16 v25, v19  }
0xd9: {  	v18 =	vadd.bf16 v19, v18;
	v19 =	vshll.u32 v20, $0x10;
	v20 =	vand.u32 $0xFFFF0000, v20  }
0xda: {  	v22 =	vshll.u32 v21, $0x10;
	v21 =	vand.u32 $0xFFFF0000, v21;
	[tilespmem:$0xBD60] =	vst v19  }
0xdb: {  	[tilespmem:$0xBC80] =	vst v22;
	v19 =	vshll.u32 v18, $0x10;
	v18 =	vand.u32 $0xFFFF0000, v18  }
0xdc: {  	[tilespmem:$0xBD00] =	vst v19  }
0xdd: {  	[tilespmem:$0xBD10] =	vst v18  }
0xde: {  	[tilespmem:$0xBC90] =	vst v21;
	_ =	sdelay $0x2  }
0xdf: {  	[tilespmem:$0xBD70] =	vst v20  }
0xe0: {  	v18 =	vld.idx.msk [tilespmem:v1+s5+$0x0], $0xffff  }
0xe1: {  	v19 =	vld.idx.msk [tilespmem:v2+s5+$0x0], $0xffff  }
0xe2: {  	v20 =	vld.idx.msk [tilespmem:v3+s5+$0x0], $0xffff  }
0xe3: {  	v21 =	vld.idx.msk [tilespmem:v4+s5+$0x0], $0xffff  }
0xe4: {  	v22 =	vld.idx.msk [tilespmem:v5+s5+$0x0], $0xffff  }
0xe5: {  	v23 =	vld.idx.msk [tilespmem:v6+s5+$0x0], $0xffff  }
0xe6: {  	v24 =	vld.idx.msk [tilespmem:v7+s5+$0x0], $0xffff  }
0xe7: {  	v18 =	vadd.f32 v19, v18;
	v25 =	vld.idx.msk [tilespmem:v8+s5+$0x0], $0xffff  }
0xe8: {  	v26 =	vld.idx.msk [tilespmem:v9+s5+$0x0], $0xffff  }
0xe9: {  	v18 =	vadd.f32 v20, v18;
	v27 =	vld.idx.msk [tilespmem:v10+s5+$0x0], $0xffff  }
0xea: {  	v28 =	vld.idx.msk [tilespmem:v11+s5+$0x0], $0xffff  }
0xeb: {  	v19 =	vadd.f32 v21, v18;
	v21 =	vld.idx.msk [tilespmem:v12+s5+$0x0], $0xffff  }
0xec: {  	v18 =	vld.idx.msk [tilespmem:v13+s5+$0x0], $0xffff  }
0xed: {  	v22 =	vadd.f32 v22, v19;
	v19 =	vld.idx.msk [tilespmem:v14+s5+$0x0], $0xffff  }
0xee: {  	v20 =	vld.idx.msk [tilespmem:v15+s5+$0x0], $0xffff  }
0xef: {  	v23 =	vadd.f32 v23, v22;
	v22 =	vld.idx.msk [tilespmem:v17+s5+$0x0], $0xffff;
	_ =	sdelay $0x1  }
0xf0: {  	v23 =	vadd.f32 v24, v23;
	_ =	sdelay $0x1  }
0xf1: {  	v23 =	vadd.f32 v25, v23;
	_ =	sdelay $0x1  }
.Ltmp0:
0xf2: {  	v23 =	vadd.f32 v26, v23;
	(pc) =	sbr.rel @p0 .LBB2_1-.Ltmp0, $3  }
0xf3: {  	_ = 	snop  }
0xf4: {  	v23 =	vadd.f32 v27, v23;
	_ =	sdelay $0x1  }
0xf5: {  	v23 =	vadd.f32 v28, v23  }
0xf6: {  	_ = 	snop  }
0xf7: {  	v0 =	vadd.f32 v21, v23;
	_ =	sdelay $0x1  }
0xf8: {  	v0 =	vadd.f32 v18, v0;
	_ =	sdelay $0x1  }
0xf9: {  	v0 =	vadd.f32 v19, v0;
	_ =	sdelay $0x1  }
0xfa: {  	v0 =	vadd.f32 v20, v0;
	_ =	sdelay $0x1  }
0xfb: {  	v0 =	vadd.f32 v22, v0;
	_ =	sdelay $0x1  }
0xfc: {  	v0 =	vmul.f32 $1.562500000e-02, v0;
	_ =	sdelay $0x1  }
0xfd: {  	v0 =	vmul.f32 $1.442695020e+00, v0;
	_ =	sdelay $0x1  }
0xfe: {  	(erf) = vpow2.f32 v0;
	_ =	sdelay $0x8  }
0xff: {  	v0 =	vpop (erf)  }
0x100: {  	[tilespmem:$0xBD80] =	vst v0  }
0x101: {  	v1 =	vld.idx.msk [tilespmem:v16+s7+$0x0], $0xffff;
	_ =	sdelay $0x4  }
0x102: {  	v1 =	vadd.f32 v0, v1;
	_ =	sdelay $0x1  }
0x103: {  	(erf) = vrcp.f32 v1;
	_ =	sdelay $0x8  }
0x104: {  	v1 =	vpop (erf)  }
0x105: {  	v0 =	vmul.f32 v1, v0  }
0x106: {  	s3 =	sshra.s32 s6, $0x2;
	s4 =	sshll.u32 s1, $0x6;
	s29 =	simm.s32 $0x0  }
0x107: {  	s30 =	simm.s32 $0xBE00;
	s31 =	simm.s32 $0x2;
	s2 =	sadd.s32 s2, s4;
	[tilespmem:s3+$0xBE00] =	vst v0  }
0x108: {  	[hbm4b:s2+s29] =	stream.linear.scatter [tilespmem:s30], [sflag:$0x2], $0x200, $0x38;
	[tilespmem:$0xC000] =	vst v63  }
0x109: {  	_ =	swait.ge [sflag:s31], $0x200  }
0x10a: {  	[sflag:s31] =	ssyncset.done $0x0  }
0x10b: {  	[sflag:s31] =	ssyncadd.s32 $0xFFFFFE00  }
0x10c: {  	_ =	sfence.sel $0x180000  }
0x10d: {  	[bflag:$0x0] =	sbarrier.arrive $0xFFFF  }
0x10e: {  	p0 =	sne.s32 s1, $0x0;
	_ =	strace $0x90000047  }
0x10f: {  	s0 =	sadd.s32 @!p0 $0x100000, s0;
	[bflag:$0x2] =	sbarrier.arrive $0xFFFF  }
0x110: {  	[sflag:s0] =	ssyncadd.tile.s32 @!p0 $0x1;
	_ =	shalt  }
.Lfunc_end2:
_tile_overlayer_lowered:
.L_overlay_start_2:
0x111: {  	(tag) =	ssettag $0x2  }
0x112: {  	s0 =	rddreg [dreg:$0x0];
	s2 =	stileid.u32  }
0x113: {  	s1 =	rddreg [dreg:$0x1];
	p0 =	sne.s32 s2, $0x0  }
0x114: {  	s3 =	rddreg [dreg:$0x2];
	[bflag:$0x3] =	sbarrier.arrive $0xFFFF;
	s2 =	simm.s32 @!p0 $0x1C02  }
0x115: {  	[timem:s3], [sflag:s2] =	dma.local @!p0 [hbm:s0], s1  }
0x116: {  	s0 =	simm.s32 @!p0 $0x2  }
0x117: {  	_ =	swait.ge @!p0 [sflag:s0], s1  }
0x118: {  	s1 =	ssub.s32 @!p0 $0x0, s1;
	[sflag:s0] =	ssyncset.done @!p0 $0x0  }
0x119: {  	[sflag:s0] =	ssyncadd.s32 @!p0 s1  }
0x11a: {  	[bflag:$0x3] =	sbarrier.arrive $0xFFFF  }
0x11b: {  	_ =	shalt  }

</sc_bundles>
